<compile_context>
chip_gen: v7x
topology: tpu7x:2x2x1
jax: 0.10.2.dev20260603
libtpu: 0.0.44.dev20260713+nightly
codegen_flags: <defaults>
</compile_context>

<pallas_src>
import functools

import jax
import jax.numpy as jnp
from jax import lax
from jax.experimental import pallas as pl
from jax.experimental.pallas import tpu as pltpu
from jax.experimental.pallas import tpu_sc as plsc

NUM_CORES = 2
NUM_SUBCORES = 16
LANES = 16
NUM_WORKERS = NUM_CORES * NUM_SUBCORES

BATCH = 16384
EMB_DIM = 64
B_PER_W = BATCH // NUM_WORKERS
ROWS_PER_BLOCK = LANES
NUM_BLOCKS = B_PER_W // ROWS_PER_BLOCK


def _mf_kernel(user_ids_hbm, item_ids_hbm, user_table_hbm, item_table_hbm,
               out_hbm, uidx_v, iidx_v, urows_v, irows_v, out_v,
               sem_u, sem_i):
    wid = lax.axis_index("s") * NUM_CORES + lax.axis_index("c")
    base = wid * B_PER_W

    pltpu.sync_copy(user_ids_hbm.at[pl.ds(base, B_PER_W)], uidx_v)
    pltpu.sync_copy(item_ids_hbm.at[pl.ds(base, B_PER_W)], iidx_v)

    cp_u = pltpu.async_copy(user_table_hbm.at[uidx_v], urows_v, sem_u)
    cp_i = pltpu.async_copy(item_table_hbm.at[iidx_v], irows_v, sem_i)
    cp_u.wait()
    cp_i.wait()

    lane = lax.iota(jnp.int32, LANES)

    def block_body(blk, _):
        rows = blk * ROWS_PER_BLOCK + lane
        acc = jnp.zeros((LANES,), jnp.float32)
        for d in range(EMB_DIM):
            col = jnp.full((LANES,), d, jnp.int32)
            u = plsc.load_gather(urows_v, [rows, col])
            v = plsc.load_gather(irows_v, [rows, col])
            acc = acc + u * v
        out_v[pl.ds(blk * ROWS_PER_BLOCK, ROWS_PER_BLOCK)] = acc
        return ()

    lax.fori_loop(0, NUM_BLOCKS, block_body, (), unroll=False)

    pltpu.sync_copy(out_v, out_hbm.at[pl.ds(base, B_PER_W)])


@jax.jit
def _mf(user_ids, item_ids, user_table, item_table):
    run = pl.kernel(
        _mf_kernel,
        out_type=jax.ShapeDtypeStruct((BATCH,), jnp.float32),
        mesh=plsc.VectorSubcoreMesh(
            core_axis_name="c", subcore_axis_name="s", num_cores=NUM_CORES
        ),
        scratch_types=[
            pltpu.VMEM((B_PER_W,), jnp.int32),
            pltpu.VMEM((B_PER_W,), jnp.int32),
            pltpu.VMEM((B_PER_W, EMB_DIM), jnp.float32),
            pltpu.VMEM((B_PER_W, EMB_DIM), jnp.float32),
            pltpu.VMEM((B_PER_W,), jnp.float32),
            pltpu.SemaphoreType.DMA,
            pltpu.SemaphoreType.DMA,
        ],
        compiler_params=pltpu.CompilerParams(
            needs_layout_passes=False, use_tc_tiling_on_sc=False
        ),
    )
    return run(user_ids, item_ids, user_table, item_table)


def kernel(user_ids, item_ids, user_table, item_table):
    return _mf(user_ids.astype(jnp.int32), item_ids.astype(jnp.int32),
               user_table, item_table)

# --- scband reference (transcript-rebuilt; emitter-appended) ---
"""Pipeline reference for scband-matrix-factorization-5153960755341 (READ-ONLY COPY).

The authoritative reference and input builder live on the scoring server;
editing this copy changes nothing except your own understanding.
"""

import jax, jax.numpy as jnp
import numpy as np

NUM_USERS = 1000000
NUM_ITEMS = 100000
EMB_DIM = 64
BATCH = 16384

def setup_inputs(seed: int = 0) -> dict:
    key = jax.random.key(seed)
    k1, k2, k3, k4 = jax.random.split(key, 4)
    user_ids = jax.random.randint(k1, (BATCH,), 0, NUM_USERS, dtype=jnp.int64 if jax.config.jax_enable_x64 else jnp.int32)
    item_ids = jax.random.randint(k2, (BATCH,), 0, NUM_ITEMS, dtype=jnp.int64 if jax.config.jax_enable_x64 else jnp.int32)
    user_table = jax.random.normal(k3, (NUM_USERS, EMB_DIM), dtype=jnp.float32) * 0.01
    item_table = jax.random.normal(k4, (NUM_ITEMS, EMB_DIM), dtype=jnp.float32) * 0.01
    return {"user_ids": user_ids, "item_ids": item_ids, "user_table": user_table, "item_table": item_table}

def reference(user_ids, item_ids, user_table, item_table):
    # Matrix factorization forward: embedding lookups + elementwise dot product
    u = jnp.take(user_table, user_ids, axis=0)  # [B, D]
    v = jnp.take(item_table, item_ids, axis=0)  # [B, D]
    scores = jnp.sum(u * v, axis=-1)            # [B]
    return scores

if __name__ == "__main__":
    import jax
    _d = setup_inputs()
    print(jax.jit(kernel)(*tuple(_d.values())))

</pallas_src>

<mosaic_0001>
#map = affine_map<(d0, d1) -> (0)>
#map1 = affine_map<(d0, d1) -> (0, 0)>
module attributes {stable_mosaic.version = 14 : i64} {
  func.func @_mf_kernel(%arg0: i32, %arg1: i32, %arg2: memref<16384xi32, #tpu.memory_space<hbm>>, %arg3: memref<16384xi32, #tpu.memory_space<hbm>>, %arg4: memref<1000000x64xf32, #tpu.memory_space<hbm>>, %arg5: memref<100000x64xf32, #tpu.memory_space<hbm>>, %arg6: memref<16384xf32, #tpu.memory_space<hbm>>, %arg7: memref<512xi32, #tpu.memory_space<vmem>>, %arg8: memref<512xi32, #tpu.memory_space<vmem>>, %arg9: memref<512x64xf32, #tpu.memory_space<vmem>>, %arg10: memref<512x64xf32, #tpu.memory_space<vmem>>, %arg11: memref<512xf32, #tpu.memory_space<vmem>>, %arg12: memref<!tpu.dma_semaphore, #tpu.memory_space<semaphore_mem>>, %arg13: memref<!tpu.dma_semaphore, #tpu.memory_space<semaphore_mem>>) attributes {dimension_semantics = [#tpu.dimension_semantics<core_parallel>, #tpu.dimension_semantics<subcore_parallel>], iteration_bounds = array<i64: 2, 16>, scalar_prefetch = 0 : i64, scratch_operands = 7 : i64, tpu.core_type = #tpu.core_type<sc_vector_subcore>, window_params = [{transform_indices = #map}, {transform_indices = #map}, {transform_indices = #map1}, {transform_indices = #map1}, {transform_indices = #map}]} {
    %mul3A = arith.constant 2 : i32
    %mul3A_0 = arith.muli %arg1, %mul3A : i32
    %add3A = arith.addi %mul3A_0, %arg0 : i32
    %mul3A_1 = arith.constant 512 : i32
    %mul3A_2 = arith.muli %add3A, %mul3A_1 : i32
    "tpu.region"() ({
      %run_scoped3A = tpu.sem_alloc : memref<!tpu.dma_semaphore, #tpu.memory_space<semaphore_mem>>
      %dma_start3A_17 = tpu.memref_slice %arg2[%mul3A_2] : memref<16384xi32, #tpu.memory_space<hbm>> -> memref<512xi32, #tpu.memory_space<hbm>>
      %dma_start3A_18 = tpu.memref_slice %arg2[%mul3A_2] : memref<16384xi32, #tpu.memory_space<hbm>> -> memref<512xi32, #tpu.memory_space<hbm>>
      tpu.enqueue_dma source(%dma_start3A_18 : memref<512xi32, #tpu.memory_space<hbm>>) target(%arg7 : memref<512xi32, #tpu.memory_space<vmem>>) target_semaphore(%run_scoped3A : memref<!tpu.dma_semaphore, #tpu.memory_space<semaphore_mem>>)
      %dma_wait3A_19 = tpu.memref_slice %arg2[%mul3A_2] : memref<16384xi32, #tpu.memory_space<hbm>> -> memref<512xi32, #tpu.memory_space<hbm>>
      %dma_wait3A_20 = tpu.memref_slice %arg2[%mul3A_2] : memref<16384xi32, #tpu.memory_space<hbm>> -> memref<512xi32, #tpu.memory_space<hbm>>
      tpu.wait_dma2 semaphore(%run_scoped3A : memref<!tpu.dma_semaphore, #tpu.memory_space<semaphore_mem>>) src(%dma_wait3A_20 : memref<512xi32, #tpu.memory_space<hbm>>) dst(%arg7 : memref<512xi32, #tpu.memory_space<vmem>>)
      tpu.yield
    }) : () -> ()
    "tpu.region"() ({
      %run_scoped3A = tpu.sem_alloc : memref<!tpu.dma_semaphore, #tpu.memory_space<semaphore_mem>>
      %dma_start3A_17 = tpu.memref_slice %arg3[%mul3A_2] : memref<16384xi32, #tpu.memory_space<hbm>> -> memref<512xi32, #tpu.memory_space<hbm>>
      %dma_start3A_18 = tpu.memref_slice %arg3[%mul3A_2] : memref<16384xi32, #tpu.memory_space<hbm>> -> memref<512xi32, #tpu.memory_space<hbm>>
      tpu.enqueue_dma source(%dma_start3A_18 : memref<512xi32, #tpu.memory_space<hbm>>) target(%arg8 : memref<512xi32, #tpu.memory_space<vmem>>) target_semaphore(%run_scoped3A : memref<!tpu.dma_semaphore, #tpu.memory_space<semaphore_mem>>)
      %dma_wait3A_19 = tpu.memref_slice %arg3[%mul3A_2] : memref<16384xi32, #tpu.memory_space<hbm>> -> memref<512xi32, #tpu.memory_space<hbm>>
      %dma_wait3A_20 = tpu.memref_slice %arg3[%mul3A_2] : memref<16384xi32, #tpu.memory_space<hbm>> -> memref<512xi32, #tpu.memory_space<hbm>>
      tpu.wait_dma2 semaphore(%run_scoped3A : memref<!tpu.dma_semaphore, #tpu.memory_space<semaphore_mem>>) src(%dma_wait3A_20 : memref<512xi32, #tpu.memory_space<hbm>>) dst(%arg8 : memref<512xi32, #tpu.memory_space<vmem>>)
      tpu.yield
    }) : () -> ()
    %dma_start3A = arith.constant 0 : i32
    %dma_start3A_3 = arith.constant 0 : i32
    %dma_start3A_4 = tpu.memref_slice %arg4[%dma_start3A, %dma_start3A_3] : memref<1000000x64xf32, #tpu.memory_space<hbm>> -> memref<1000000x64xf32, #tpu.memory_space<hbm>>
    tpu.enqueue_indirect_dma source(%dma_start3A_4 : memref<1000000x64xf32, #tpu.memory_space<hbm>>) target(%arg9 : memref<512x64xf32, #tpu.memory_space<vmem>>) offsets(%arg7 : memref<512xi32, #tpu.memory_space<vmem>>) semaphore(%arg12 : memref<!tpu.dma_semaphore, #tpu.memory_space<semaphore_mem>>)
    %dma_start3A_5 = arith.constant 0 : i32
    %dma_start3A_6 = arith.constant 0 : i32
    %dma_start3A_7 = tpu.memref_slice %arg5[%dma_start3A_5, %dma_start3A_6] : memref<100000x64xf32, #tpu.memory_space<hbm>> -> memref<100000x64xf32, #tpu.memory_space<hbm>>
    tpu.enqueue_indirect_dma source(%dma_start3A_7 : memref<100000x64xf32, #tpu.memory_space<hbm>>) target(%arg10 : memref<512x64xf32, #tpu.memory_space<vmem>>) offsets(%arg8 : memref<512xi32, #tpu.memory_space<vmem>>) semaphore(%arg13 : memref<!tpu.dma_semaphore, #tpu.memory_space<semaphore_mem>>)
    %dma_wait3A = arith.constant 0 : i32
    %dma_wait3A_8 = arith.constant 0 : i32
    %dma_wait3A_9 = tpu.memref_slice %arg4[%dma_wait3A, %dma_wait3A_8] : memref<1000000x64xf32, #tpu.memory_space<hbm>> -> memref<1000000x64xf32, #tpu.memory_space<hbm>>
    tpu.wait_indirect_dma semaphore(%arg12 : memref<!tpu.dma_semaphore, #tpu.memory_space<semaphore_mem>>) src(%dma_wait3A_9 : memref<1000000x64xf32, #tpu.memory_space<hbm>>) dst(%arg9 : memref<512x64xf32, #tpu.memory_space<vmem>>)
    %dma_wait3A_10 = arith.constant 0 : i32
    %dma_wait3A_11 = arith.constant 0 : i32
    %dma_wait3A_12 = tpu.memref_slice %arg5[%dma_wait3A_10, %dma_wait3A_11] : memref<100000x64xf32, #tpu.memory_space<hbm>> -> memref<100000x64xf32, #tpu.memory_space<hbm>>
    tpu.wait_indirect_dma semaphore(%arg13 : memref<!tpu.dma_semaphore, #tpu.memory_space<semaphore_mem>>) src(%dma_wait3A_12 : memref<100000x64xf32, #tpu.memory_space<hbm>>) dst(%arg10 : memref<512x64xf32, #tpu.memory_space<vmem>>)
    %iota3A = tpu.iota {dimensions = array<i32: 0>} : vector<16xi32>
    %scan3A = arith.constant 0 : i32
    %scan3A_13 = arith.constant 32 : i32
    %scan3A_14 = arith.addi %scan3A, %scan3A_13 : i32
    %scan3A_15 = arith.constant 1 : i32
    scf.for %scan3A_17 = %scan3A to %scan3A_14 step %scan3A_15  : i32 {
      %mul3A_18 = arith.constant 16 : i32
      %mul3A_19 = arith.muli %scan3A_17, %mul3A_18 : i32
      %add3A_20 = vector.broadcast %mul3A_19 : i32 to vector<16xi32>
      %add3A_21 = arith.addi %add3A_20, %iota3A : vector<16xi32>
      %broadcast_in_dim3A = arith.constant 0.000000e+00 : f32
      %broadcast_in_dim3A_22 = vector.broadcast %broadcast_in_dim3A : f32 to vector<16xf32>
      %broadcast_in_dim3A_23 = arith.constant 0 : i32
      %broadcast_in_dim3A_24 = vector.broadcast %broadcast_in_dim3A_23 : i32 to vector<16xi32>
      %gather3A = tpu.vector_load_idx %arg9[%add3A_21, %broadcast_in_dim3A_24] : memref<512x64xf32, #tpu.memory_space<vmem>>[vector<16xi32>, vector<16xi32>], vector<16xf32>,
      %gather3A_25 = tpu.vector_load_idx %arg10[%add3A_21, %broadcast_in_dim3A_24] : memref<512x64xf32, #tpu.memory_space<vmem>>[vector<16xi32>, vector<16xi32>], vector<16xf32>,
      %mul3A_26 = arith.mulf %gather3A, %gather3A_25 : vector<16xf32>
      %add3A_27 = arith.addf %broadcast_in_dim3A_22, %mul3A_26 : vector<16xf32>
      %broadcast_in_dim3A_28 = arith.constant 1 : i32
      %broadcast_in_dim3A_29 = vector.broadcast %broadcast_in_dim3A_28 : i32 to vector<16xi32>
      %gather3A_30 = tpu.vector_load_idx %arg9[%add3A_21, %broadcast_in_dim3A_29] : memref<512x64xf32, #tpu.memory_space<vmem>>[vector<16xi32>, vector<16xi32>], vector<16xf32>,
      %gather3A_31 = tpu.vector_load_idx %arg10[%add3A_21, %broadcast_in_dim3A_29] : memref<512x64xf32, #tpu.memory_space<vmem>>[vector<16xi32>, vector<16xi32>], vector<16xf32>,
      %mul3A_32 = arith.mulf %gather3A_30, %gather3A_31 : vector<16xf32>
      %add3A_33 = arith.addf %add3A_27, %mul3A_32 : vector<16xf32>
      %broadcast_in_dim3A_34 = arith.constant 2 : i32
      %broadcast_in_dim3A_35 = vector.broadcast %broadcast_in_dim3A_34 : i32 to vector<16xi32>
      %gather3A_36 = tpu.vector_load_idx %arg9[%add3A_21, %broadcast_in_dim3A_35] : memref<512x64xf32, #tpu.memory_space<vmem>>[vector<16xi32>, vector<16xi32>], vector<16xf32>,
      %gather3A_37 = tpu.vector_load_idx %arg10[%add3A_21, %broadcast_in_dim3A_35] : memref<512x64xf32, #tpu.memory_space<vmem>>[vector<16xi32>, vector<16xi32>], vector<16xf32>,
      %mul3A_38 = arith.mulf %gather3A_36, %gather3A_37 : vector<16xf32>
      %add3A_39 = arith.addf %add3A_33, %mul3A_38 : vector<16xf32>
      %broadcast_in_dim3A_40 = arith.constant 3 : i32
      %broadcast_in_dim3A_41 = vector.broadcast %broadcast_in_dim3A_40 : i32 to vector<16xi32>
      %gather3A_42 = tpu.vector_load_idx %arg9[%add3A_21, %broadcast_in_dim3A_41] : memref<512x64xf32, #tpu.memory_space<vmem>>[vector<16xi32>, vector<16xi32>], vector<16xf32>,
      %gather3A_43 = tpu.vector_load_idx %arg10[%add3A_21, %broadcast_in_dim3A_41] : memref<512x64xf32, #tpu.memory_space<vmem>>[vector<16xi32>, vector<16xi32>], vector<16xf32>,
      %mul3A_44 = arith.mulf %gather3A_42, %gather3A_43 : vector<16xf32>
      %add3A_45 = arith.addf %add3A_39, %mul3A_44 : vector<16xf32>
      %broadcast_in_dim3A_46 = arith.constant 4 : i32
      %broadcast_in_dim3A_47 = vector.broadcast %broadcast_in_dim3A_46 : i32 to vector<16xi32>
      %gather3A_48 = tpu.vector_load_idx %arg9[%add3A_21, %broadcast_in_dim3A_47] : memref<512x64xf32, #tpu.memory_space<vmem>>[vector<16xi32>, vector<16xi32>], vector<16xf32>,
      %gather3A_49 = tpu.vector_load_idx %arg10[%add3A_21, %broadcast_in_dim3A_47] : memref<512x64xf32, #tpu.memory_space<vmem>>[vector<16xi32>, vector<16xi32>], vector<16xf32>,
      %mul3A_50 = arith.mulf %gather3A_48, %gather3A_49 : vector<16xf32>
      %add3A_51 = arith.addf %add3A_45, %mul3A_50 : vector<16xf32>
      %broadcast_in_dim3A_52 = arith.constant 5 : i32
      %broadcast_in_dim3A_53 = vector.broadcast %broadcast_in_dim3A_52 : i32 to vector<16xi32>
      %gather3A_54 = tpu.vector_load_idx %arg9[%add3A_21, %broadcast_in_dim3A_53] : memref<512x64xf32, #tpu.memory_space<vmem>>[vector<16xi32>, vector<16xi32>], vector<16xf32>,
      %gather3A_55 = tpu.vector_load_idx %arg10[%add3A_21, %broadcast_in_dim3A_53] : memref<512x64xf32, #tpu.memory_space<vmem>>[vector<16xi32>, vector<16xi32>], vector<16xf32>,
      %mul3A_56 = arith.mulf %gather3A_54, %gather3A_55 : vector<16xf32>
      %add3A_57 = arith.addf %add3A_51, %mul3A_56 : vector<16xf32>
      %broadcast_in_dim3A_58 = arith.constant 6 : i32
      %broadcast_in_dim3A_59 = vector.broadcast %broadcast_in_dim3A_58 : i32 to vector<16xi32>
      %gather3A_60 = tpu.vector_load_idx %arg9[%add3A_21, %broadcast_in_dim3A_59] : memref<512x64xf32, #tpu.memory_space<vmem>>[vector<16xi32>, vector<16xi32>], vector<16xf32>,
      %gather3A_61 = tpu.vector_load_idx %arg10[%add3A_21, %broadcast_in_dim3A_59] : memref<512x64xf32, #tpu.memory_space<vmem>>[vector<16xi32>, vector<16xi32>], vector<16xf32>,
      %mul3A_62 = arith.mulf %gather3A_60, %gather3A_61 : vector<16xf32>
      %add3A_63 = arith.addf %add3A_57, %mul3A_62 : vector<16xf32>
      %broadcast_in_dim3A_64 = arith.constant 7 : i32
      %broadcast_in_dim3A_65 = vector.broadcast %broadcast_in_dim3A_64 : i32 to vector<16xi32>
      %gather3A_66 = tpu.vector_load_idx %arg9[%add3A_21, %broadcast_in_dim3A_65] : memref<512x64xf32, #tpu.memory_space<vmem>>[vector<16xi32>, vector<16xi32>], vector<16xf32>,
      %gather3A_67 = tpu.vector_load_idx %arg10[%add3A_21, %broadcast_in_dim3A_65] : memref<512x64xf32, #tpu.memory_space<vmem>>[vector<16xi32>, vector<16xi32>], vector<16xf32>,
      %mul3A_68 = arith.mulf %gather3A_66, %gather3A_67 : vector<16xf32>
      %add3A_69 = arith.addf %add3A_63, %mul3A_68 : vector<16xf32>
      %broadcast_in_dim3A_70 = arith.constant 8 : i32
      %broadcast_in_dim3A_71 = vector.broadcast %broadcast_in_dim3A_70 : i32 to vector<16xi32>
      %gather3A_72 = tpu.vector_load_idx %arg9[%add3A_21, %broadcast_in_dim3A_71] : memref<512x64xf32, #tpu.memory_space<vmem>>[vector<16xi32>, vector<16xi32>], vector<16xf32>,
      %gather3A_73 = tpu.vector_load_idx %arg10[%add3A_21, %broadcast_in_dim3A_71] : memref<512x64xf32, #tpu.memory_space<vmem>>[vector<16xi32>, vector<16xi32>], vector<16xf32>,
      %mul3A_74 = arith.mulf %gather3A_72, %gather3A_73 : vector<16xf32>
      %add3A_75 = arith.addf %add3A_69, %mul3A_74 : vector<16xf32>
      %broadcast_in_dim3A_76 = arith.constant 9 : i32
      %broadcast_in_dim3A_77 = vector.broadcast %broadcast_in_dim3A_76 : i32 to vector<16xi32>
      %gather3A_78 = tpu.vector_load_idx %arg9[%add3A_21, %broadcast_in_dim3A_77] : memref<512x64xf32, #tpu.memory_space<vmem>>[vector<16xi32>, vector<16xi32>], vector<16xf32>,
      %gather3A_79 = tpu.vector_load_idx %arg10[%add3A_21, %broadcast_in_dim3A_77] : memref<512x64xf32, #tpu.memory_space<vmem>>[vector<16xi32>, vector<16xi32>], vector<16xf32>,
      %mul3A_80 = arith.mulf %gather3A_78, %gather3A_79 : vector<16xf32>
      %add3A_81 = arith.addf %add3A_75, %mul3A_80 : vector<16xf32>
      %broadcast_in_dim3A_82 = arith.constant 10 : i32
      %broadcast_in_dim3A_83 = vector.broadcast %broadcast_in_dim3A_82 : i32 to vector<16xi32>
      %gather3A_84 = tpu.vector_load_idx %arg9[%add3A_21, %broadcast_in_dim3A_83] : memref<512x64xf32, #tpu.memory_space<vmem>>[vector<16xi32>, vector<16xi32>], vector<16xf32>,
      %gather3A_85 = tpu.vector_load_idx %arg10[%add3A_21, %broadcast_in_dim3A_83] : memref<512x64xf32, #tpu.memory_space<vmem>>[vector<16xi32>, vector<16xi32>], vector<16xf32>,
      %mul3A_86 = arith.mulf %gather3A_84, %gather3A_85 : vector<16xf32>
      %add3A_87 = arith.addf %add3A_81, %mul3A_86 : vector<16xf32>
      %broadcast_in_dim3A_88 = arith.constant 11 : i32
      %broadcast_in_dim3A_89 = vector.broadcast %broadcast_in_dim3A_88 : i32 to vector<16xi32>
      %gather3A_90 = tpu.vector_load_idx %arg9[%add3A_21, %broadcast_in_dim3A_89] : memref<512x64xf32, #tpu.memory_space<vmem>>[vector<16xi32>, vector<16xi32>], vector<16xf32>,
      %gather3A_91 = tpu.vector_load_idx %arg10[%add3A_21, %broadcast_in_dim3A_89] : memref<512x64xf32, #tpu.memory_space<vmem>>[vector<16xi32>, vector<16xi32>], vector<16xf32>,
      %mul3A_92 = arith.mulf %gather3A_90, %gather3A_91 : vector<16xf32>
      %add3A_93 = arith.addf %add3A_87, %mul3A_92 : vector<16xf32>
      %broadcast_in_dim3A_94 = arith.constant 12 : i32
      %broadcast_in_dim3A_95 = vector.broadcast %broadcast_in_dim3A_94 : i32 to vector<16xi32>
      %gather3A_96 = tpu.vector_load_idx %arg9[%add3A_21, %broadcast_in_dim3A_95] : memref<512x64xf32, #tpu.memory_space<vmem>>[vector<16xi32>, vector<16xi32>], vector<16xf32>,
      %gather3A_97 = tpu.vector_load_idx %arg10[%add3A_21, %broadcast_in_dim3A_95] : memref<512x64xf32, #tpu.memory_space<vmem>>[vector<16xi32>, vector<16xi32>], vector<16xf32>,
      %mul3A_98 = arith.mulf %gather3A_96, %gather3A_97 : vector<16xf32>
      %add3A_99 = arith.addf %add3A_93, %mul3A_98 : vector<16xf32>
      %broadcast_in_dim3A_100 = arith.constant 13 : i32
      %broadcast_in_dim3A_101 = vector.broadcast %broadcast_in_dim3A_100 : i32 to vector<16xi32>
      %gather3A_102 = tpu.vector_load_idx %arg9[%add3A_21, %broadcast_in_dim3A_101] : memref<512x64xf32, #tpu.memory_space<vmem>>[vector<16xi32>, vector<16xi32>], vector<16xf32>,
      %gather3A_103 = tpu.vector_load_idx %arg10[%add3A_21, %broadcast_in_dim3A_101] : memref<512x64xf32, #tpu.memory_space<vmem>>[vector<16xi32>, vector<16xi32>], vector<16xf32>,
      %mul3A_104 = arith.mulf %gather3A_102, %gather3A_103 : vector<16xf32>
      %add3A_105 = arith.addf %add3A_99, %mul3A_104 : vector<16xf32>
      %broadcast_in_dim3A_106 = arith.constant 14 : i32
      %broadcast_in_dim3A_107 = vector.broadcast %broadcast_in_dim3A_106 : i32 to vector<16xi32>
      %gather3A_108 = tpu.vector_load_idx %arg9[%add3A_21, %broadcast_in_dim3A_107] : memref<512x64xf32, #tpu.memory_space<vmem>>[vector<16xi32>, vector<16xi32>], vector<16xf32>,
      %gather3A_109 = tpu.vector_load_idx %arg10[%add3A_21, %broadcast_in_dim3A_107] : memref<512x64xf32, #tpu.memory_space<vmem>>[vector<16xi32>, vector<16xi32>], vector<16xf32>,
      %mul3A_110 = arith.mulf %gather3A_108, %gather3A_109 : vector<16xf32>
      %add3A_111 = arith.addf %add3A_105, %mul3A_110 : vector<16xf32>
      %broadcast_in_dim3A_112 = arith.constant 15 : i32
      %broadcast_in_dim3A_113 = vector.broadcast %broadcast_in_dim3A_112 : i32 to vector<16xi32>
      %gather3A_114 = tpu.vector_load_idx %arg9[%add3A_21, %broadcast_in_dim3A_113] : memref<512x64xf32, #tpu.memory_space<vmem>>[vector<16xi32>, vector<16xi32>], vector<16xf32>,
      %gather3A_115 = tpu.vector_load_idx %arg10[%add3A_21, %broadcast_in_dim3A_113] : memref<512x64xf32, #tpu.memory_space<vmem>>[vector<16xi32>, vector<16xi32>], vector<16xf32>,
      %mul3A_116 = arith.mulf %gather3A_114, %gather3A_115 : vector<16xf32>
      %add3A_117 = arith.addf %add3A_111, %mul3A_116 : vector<16xf32>
      %broadcast_in_dim3A_118 = arith.constant 16 : i32
      %broadcast_in_dim3A_119 = vector.broadcast %broadcast_in_dim3A_118 : i32 to vector<16xi32>
      %gather3A_120 = tpu.vector_load_idx %arg9[%add3A_21, %broadcast_in_dim3A_119] : memref<512x64xf32, #tpu.memory_space<vmem>>[vector<16xi32>, vector<16xi32>], vector<16xf32>,
      %gather3A_121 = tpu.vector_load_idx %arg10[%add3A_21, %broadcast_in_dim3A_119] : memref<512x64xf32, #tpu.memory_space<vmem>>[vector<16xi32>, vector<16xi32>], vector<16xf32>,
      %mul3A_122 = arith.mulf %gather3A_120, %gather3A_121 : vector<16xf32>
      %add3A_123 = arith.addf %add3A_117, %mul3A_122 : vector<16xf32>
      %broadcast_in_dim3A_124 = arith.constant 17 : i32
      %broadcast_in_dim3A_125 = vector.broadcast %broadcast_in_dim3A_124 : i32 to vector<16xi32>
      %gather3A_126 = tpu.vector_load_idx %arg9[%add3A_21, %broadcast_in_dim3A_125] : memref<512x64xf32, #tpu.memory_space<vmem>>[vector<16xi32>, vector<16xi32>], vector<16xf32>,
      %gather3A_127 = tpu.vector_load_idx %arg10[%add3A_21, %broadcast_in_dim3A_125] : memref<512x64xf32, #tpu.memory_space<vmem>>[vector<16xi32>, vector<16xi32>], vector<16xf32>,
      %mul3A_128 = arith.mulf %gather3A_126, %gather3A_127 : vector<16xf32>
      %add3A_129 = arith.addf %add3A_123, %mul3A_128 : vector<16xf32>
      %broadcast_in_dim3A_130 = arith.constant 18 : i32
      %broadcast_in_dim3A_131 = vector.broadcast %broadcast_in_dim3A_130 : i32 to vector<16xi32>
      %gather3A_132 = tpu.vector_load_idx %arg9[%add3A_21, %broadcast_in_dim3A_131] : memref<512x64xf32, #tpu.memory_space<vmem>>[vector<16xi32>, vector<16xi32>], vector<16xf32>,
      %gather3A_133 = tpu.vector_load_idx %arg10[%add3A_21, %broadcast_in_dim3A_131] : memref<512x64xf32, #tpu.memory_space<vmem>>[vector<16xi32>, vector<16xi32>], vector<16xf32>,
      %mul3A_134 = arith.mulf %gather3A_132, %gather3A_133 : vector<16xf32>
      %add3A_135 = arith.addf %add3A_129, %mul3A_134 : vector<16xf32>
      %broadcast_in_dim3A_136 = arith.constant 19 : i32
      %broadcast_in_dim3A_137 = vector.broadcast %broadcast_in_dim3A_136 : i32 to vector<16xi32>
      %gather3A_138 = tpu.vector_load_idx %arg9[%add3A_21, %broadcast_in_dim3A_137] : memref<512x64xf32, #tpu.memory_space<vmem>>[vector<16xi32>, vector<16xi32>], vector<16xf32>,
      %gather3A_139 = tpu.vector_load_idx %arg10[%add3A_21, %broadcast_in_dim3A_137] : memref<512x64xf32, #tpu.memory_space<vmem>>[vector<16xi32>, vector<16xi32>], vector<16xf32>,
      %mul3A_140 = arith.mulf %gather3A_138, %gather3A_139 : vector<16xf32>
      %add3A_141 = arith.addf %add3A_135, %mul3A_140 : vector<16xf32>
      %broadcast_in_dim3A_142 = arith.constant 20 : i32
      %broadcast_in_dim3A_143 = vector.broadcast %broadcast_in_dim3A_142 : i32 to vector<16xi32>
      %gather3A_144 = tpu.vector_load_idx %arg9[%add3A_21, %broadcast_in_dim3A_143] : memref<512x64xf32, #tpu.memory_space<vmem>>[vector<16xi32>, vector<16xi32>], vector<16xf32>,
      %gather3A_145 = tpu.vector_load_idx %arg10[%add3A_21, %broadcast_in_dim3A_143] : memref<512x64xf32, #tpu.memory_space<vmem>>[vector<16xi32>, vector<16xi32>], vector<16xf32>,
      %mul3A_146 = arith.mulf %gather3A_144, %gather3A_145 : vector<16xf32>
      %add3A_147 = arith.addf %add3A_141, %mul3A_146 : vector<16xf32>
      %broadcast_in_dim3A_148 = arith.constant 21 : i32
      %broadcast_in_dim3A_149 = vector.broadcast %broadcast_in_dim3A_148 : i32 to vector<16xi32>
      %gather3A_150 = tpu.vector_load_idx %arg9[%add3A_21, %broadcast_in_dim3A_149] : memref<512x64xf32, #tpu.memory_space<vmem>>[vector<16xi32>, vector<16xi32>], vector<16xf32>,
      %gather3A_151 = tpu.vector_load_idx %arg10[%add3A_21, %broadcast_in_dim3A_149] : memref<512x64xf32, #tpu.memory_space<vmem>>[vector<16xi32>, vector<16xi32>], vector<16xf32>,
      %mul3A_152 = arith.mulf %gather3A_150, %gather3A_151 : vector<16xf32>
      %add3A_153 = arith.addf %add3A_147, %mul3A_152 : vector<16xf32>
      %broadcast_in_dim3A_154 = arith.constant 22 : i32
      %broadcast_in_dim3A_155 = vector.broadcast %broadcast_in_dim3A_154 : i32 to vector<16xi32>
      %gather3A_156 = tpu.vector_load_idx %arg9[%add3A_21, %broadcast_in_dim3A_155] : memref<512x64xf32, #tpu.memory_space<vmem>>[vector<16xi32>, vector<16xi32>], vector<16xf32>,
      %gather3A_157 = tpu.vector_load_idx %arg10[%add3A_21, %broadcast_in_dim3A_155] : memref<512x64xf32, #tpu.memory_space<vmem>>[vector<16xi32>, vector<16xi32>], vector<16xf32>,
      %mul3A_158 = arith.mulf %gather3A_156, %gather3A_157 : vector<16xf32>
      %add3A_159 = arith.addf %add3A_153, %mul3A_158 : vector<16xf32>
      %broadcast_in_dim3A_160 = arith.constant 23 : i32
      %broadcast_in_dim3A_161 = vector.broadcast %broadcast_in_dim3A_160 : i32 to vector<16xi32>
      %gather3A_162 = tpu.vector_load_idx %arg9[%add3A_21, %broadcast_in_dim3A_161] : memref<512x64xf32, #tpu.memory_space<vmem>>[vector<16xi32>, vector<16xi32>], vector<16xf32>,
      %gather3A_163 = tpu.vector_load_idx %arg10[%add3A_21, %broadcast_in_dim3A_161] : memref<512x64xf32, #tpu.memory_space<vmem>>[vector<16xi32>, vector<16xi32>], vector<16xf32>,
      %mul3A_164 = arith.mulf %gather3A_162, %gather3A_163 : vector<16xf32>
      %add3A_165 = arith.addf %add3A_159, %mul3A_164 : vector<16xf32>
      %broadcast_in_dim3A_166 = arith.constant 24 : i32
      %broadcast_in_dim3A_167 = vector.broadcast %broadcast_in_dim3A_166 : i32 to vector<16xi32>
      %gather3A_168 = tpu.vector_load_idx %arg9[%add3A_21, %broadcast_in_dim3A_167] : memref<512x64xf32, #tpu.memory_space<vmem>>[vector<16xi32>, vector<16xi32>], vector<16xf32>,
      %gather3A_169 = tpu.vector_load_idx %arg10[%add3A_21, %broadcast_in_dim3A_167] : memref<512x64xf32, #tpu.memory_space<vmem>>[vector<16xi32>, vector<16xi32>], vector<16xf32>,
      %mul3A_170 = arith.mulf %gather3A_168, %gather3A_169 : vector<16xf32>
      %add3A_171 = arith.addf %add3A_165, %mul3A_170 : vector<16xf32>
      %broadcast_in_dim3A_172 = arith.constant 25 : i32
      %broadcast_in_dim3A_173 = vector.broadcast %broadcast_in_dim3A_172 : i32 to vector<16xi32>
      %gather3A_174 = tpu.vector_load_idx %arg9[%add3A_21, %broadcast_in_dim3A_173] : memref<512x64xf32, #tpu.memory_space<vmem>>[vector<16xi32>, vector<16xi32>], vector<16xf32>,
      %gather3A_175 = tpu.vector_load_idx %arg10[%add3A_21, %broadcast_in_dim3A_173] : memref<512x64xf32, #tpu.memory_space<vmem>>[vector<16xi32>, vector<16xi32>], vector<16xf32>,
      %mul3A_176 = arith.mulf %gather3A_174, %gather3A_175 : vector<16xf32>
      %add3A_177 = arith.addf %add3A_171, %mul3A_176 : vector<16xf32>
      %broadcast_in_dim3A_178 = arith.constant 26 : i32
      %broadcast_in_dim3A_179 = vector.broadcast %broadcast_in_dim3A_178 : i32 to vector<16xi32>
      %gather3A_180 = tpu.vector_load_idx %arg9[%add3A_21, %broadcast_in_dim3A_179] : memref<512x64xf32, #tpu.memory_space<vmem>>[vector<16xi32>, vector<16xi32>], vector<16xf32>,
      %gather3A_181 = tpu.vector_load_idx %arg10[%add3A_21, %broadcast_in_dim3A_179] : memref<512x64xf32, #tpu.memory_space<vmem>>[vector<16xi32>, vector<16xi32>], vector<16xf32>,
      %mul3A_182 = arith.mulf %gather3A_180, %gather3A_181 : vector<16xf32>
      %add3A_183 = arith.addf %add3A_177, %mul3A_182 : vector<16xf32>
      %broadcast_in_dim3A_184 = arith.constant 27 : i32
      %broadcast_in_dim3A_185 = vector.broadcast %broadcast_in_dim3A_184 : i32 to vector<16xi32>
      %gather3A_186 = tpu.vector_load_idx %arg9[%add3A_21, %broadcast_in_dim3A_185] : memref<512x64xf32, #tpu.memory_space<vmem>>[vector<16xi32>, vector<16xi32>], vector<16xf32>,
      %gather3A_187 = tpu.vector_load_idx %arg10[%add3A_21, %broadcast_in_dim3A_185] : memref<512x64xf32, #tpu.memory_space<vmem>>[vector<16xi32>, vector<16xi32>], vector<16xf32>,
      %mul3A_188 = arith.mulf %gather3A_186, %gather3A_187 : vector<16xf32>
      %add3A_189 = arith.addf %add3A_183, %mul3A_188 : vector<16xf32>
      %broadcast_in_dim3A_190 = arith.constant 28 : i32
      %broadcast_in_dim3A_191 = vector.broadcast %broadcast_in_dim3A_190 : i32 to vector<16xi32>
      %gather3A_192 = tpu.vector_load_idx %arg9[%add3A_21, %broadcast_in_dim3A_191] : memref<512x64xf32, #tpu.memory_space<vmem>>[vector<16xi32>, vector<16xi32>], vector<16xf32>,
      %gather3A_193 = tpu.vector_load_idx %arg10[%add3A_21, %broadcast_in_dim3A_191] : memref<512x64xf32, #tpu.memory_space<vmem>>[vector<16xi32>, vector<16xi32>], vector<16xf32>,
      %mul3A_194 = arith.mulf %gather3A_192, %gather3A_193 : vector<16xf32>
      %add3A_195 = arith.addf %add3A_189, %mul3A_194 : vector<16xf32>
      %broadcast_in_dim3A_196 = arith.constant 29 : i32
      %broadcast_in_dim3A_197 = vector.broadcast %broadcast_in_dim3A_196 : i32 to vector<16xi32>
      %gather3A_198 = tpu.vector_load_idx %arg9[%add3A_21, %broadcast_in_dim3A_197] : memref<512x64xf32, #tpu.memory_space<vmem>>[vector<16xi32>, vector<16xi32>], vector<16xf32>,
      %gather3A_199 = tpu.vector_load_idx %arg10[%add3A_21, %broadcast_in_dim3A_197] : memref<512x64xf32, #tpu.memory_space<vmem>>[vector<16xi32>, vector<16xi32>], vector<16xf32>,
      %mul3A_200 = arith.mulf %gather3A_198, %gather3A_199 : vector<16xf32>
      %add3A_201 = arith.addf %add3A_195, %mul3A_200 : vector<16xf32>
      %broadcast_in_dim3A_202 = arith.constant 30 : i32
      %broadcast_in_dim3A_203 = vector.broadcast %broadcast_in_dim3A_202 : i32 to vector<16xi32>
      %gather3A_204 = tpu.vector_load_idx %arg9[%add3A_21, %broadcast_in_dim3A_203] : memref<512x64xf32, #tpu.memory_space<vmem>>[vector<16xi32>, vector<16xi32>], vector<16xf32>,
      %gather3A_205 = tpu.vector_load_idx %arg10[%add3A_21, %broadcast_in_dim3A_203] : memref<512x64xf32, #tpu.memory_space<vmem>>[vector<16xi32>, vector<16xi32>], vector<16xf32>,
      %mul3A_206 = arith.mulf %gather3A_204, %gather3A_205 : vector<16xf32>
      %add3A_207 = arith.addf %add3A_201, %mul3A_206 : vector<16xf32>
      %broadcast_in_dim3A_208 = arith.constant 31 : i32
      %broadcast_in_dim3A_209 = vector.broadcast %broadcast_in_dim3A_208 : i32 to vector<16xi32>
      %gather3A_210 = tpu.vector_load_idx %arg9[%add3A_21, %broadcast_in_dim3A_209] : memref<512x64xf32, #tpu.memory_space<vmem>>[vector<16xi32>, vector<16xi32>], vector<16xf32>,
      %gather3A_211 = tpu.vector_load_idx %arg10[%add3A_21, %broadcast_in_dim3A_209] : memref<512x64xf32, #tpu.memory_space<vmem>>[vector<16xi32>, vector<16xi32>], vector<16xf32>,
      %mul3A_212 = arith.mulf %gather3A_210, %gather3A_211 : vector<16xf32>
      %add3A_213 = arith.addf %add3A_207, %mul3A_212 : vector<16xf32>
      %broadcast_in_dim3A_214 = arith.constant 32 : i32
      %broadcast_in_dim3A_215 = vector.broadcast %broadcast_in_dim3A_214 : i32 to vector<16xi32>
      %gather3A_216 = tpu.vector_load_idx %arg9[%add3A_21, %broadcast_in_dim3A_215] : memref<512x64xf32, #tpu.memory_space<vmem>>[vector<16xi32>, vector<16xi32>], vector<16xf32>,
      %gather3A_217 = tpu.vector_load_idx %arg10[%add3A_21, %broadcast_in_dim3A_215] : memref<512x64xf32, #tpu.memory_space<vmem>>[vector<16xi32>, vector<16xi32>], vector<16xf32>,
      %mul3A_218 = arith.mulf %gather3A_216, %gather3A_217 : vector<16xf32>
      %add3A_219 = arith.addf %add3A_213, %mul3A_218 : vector<16xf32>
      %broadcast_in_dim3A_220 = arith.constant 33 : i32
      %broadcast_in_dim3A_221 = vector.broadcast %broadcast_in_dim3A_220 : i32 to vector<16xi32>
      %gather3A_222 = tpu.vector_load_idx %arg9[%add3A_21, %broadcast_in_dim3A_221] : memref<512x64xf32, #tpu.memory_space<vmem>>[vector<16xi32>, vector<16xi32>], vector<16xf32>,
      %gather3A_223 = tpu.vector_load_idx %arg10[%add3A_21, %broadcast_in_dim3A_221] : memref<512x64xf32, #tpu.memory_space<vmem>>[vector<16xi32>, vector<16xi32>], vector<16xf32>,
      %mul3A_224 = arith.mulf %gather3A_222, %gather3A_223 : vector<16xf32>
      %add3A_225 = arith.addf %add3A_219, %mul3A_224 : vector<16xf32>
      %broadcast_in_dim3A_226 = arith.constant 34 : i32
      %broadcast_in_dim3A_227 = vector.broadcast %broadcast_in_dim3A_226 : i32 to vector<16xi32>
      %gather3A_228 = tpu.vector_load_idx %arg9[%add3A_21, %broadcast_in_dim3A_227] : memref<512x64xf32, #tpu.memory_space<vmem>>[vector<16xi32>, vector<16xi32>], vector<16xf32>,
      %gather3A_229 = tpu.vector_load_idx %arg10[%add3A_21, %broadcast_in_dim3A_227] : memref<512x64xf32, #tpu.memory_space<vmem>>[vector<16xi32>, vector<16xi32>], vector<16xf32>,
      %mul3A_230 = arith.mulf %gather3A_228, %gather3A_229 : vector<16xf32>
      %add3A_231 = arith.addf %add3A_225, %mul3A_230 : vector<16xf32>
      %broadcast_in_dim3A_232 = arith.constant 35 : i32
      %broadcast_in_dim3A_233 = vector.broadcast %broadcast_in_dim3A_232 : i32 to vector<16xi32>
      %gather3A_234 = tpu.vector_load_idx %arg9[%add3A_21, %broadcast_in_dim3A_233] : memref<512x64xf32, #tpu.memory_space<vmem>>[vector<16xi32>, vector<16xi32>], vector<16xf32>,
      %gather3A_235 = tpu.vector_load_idx %arg10[%add3A_21, %broadcast_in_dim3A_233] : memref<512x64xf32, #tpu.memory_space<vmem>>[vector<16xi32>, vector<16xi32>], vector<16xf32>,
      %mul3A_236 = arith.mulf %gather3A_234, %gather3A_235 : vector<16xf32>
      %add3A_237 = arith.addf %add3A_231, %mul3A_236 : vector<16xf32>
      %broadcast_in_dim3A_238 = arith.constant 36 : i32
      %broadcast_in_dim3A_239 = vector.broadcast %broadcast_in_dim3A_238 : i32 to vector<16xi32>
      %gather3A_240 = tpu.vector_load_idx %arg9[%add3A_21, %broadcast_in_dim3A_239] : memref<512x64xf32, #tpu.memory_space<vmem>>[vector<16xi32>, vector<16xi32>], vector<16xf32>,
      %gather3A_241 = tpu.vector_load_idx %arg10[%add3A_21, %broadcast_in_dim3A_239] : memref<512x64xf32, #tpu.memory_space<vmem>>[vector<16xi32>, vector<16xi32>], vector<16xf32>,
      %mul3A_242 = arith.mulf %gather3A_240, %gather3A_241 : vector<16xf32>
      %add3A_243 = arith.addf %add3A_237, %mul3A_242 : vector<16xf32>
      %broadcast_in_dim3A_244 = arith.constant 37 : i32
      %broadcast_in_dim3A_245 = vector.broadcast %broadcast_in_dim3A_244 : i32 to vector<16xi32>
      %gather3A_246 = tpu.vector_load_idx %arg9[%add3A_21, %broadcast_in_dim3A_245] : memref<512x64xf32, #tpu.memory_space<vmem>>[vector<16xi32>, vector<16xi32>], vector<16xf32>,
      %gather3A_247 = tpu.vector_load_idx %arg10[%add3A_21, %broadcast_in_dim3A_245] : memref<512x64xf32, #tpu.memory_space<vmem>>[vector<16xi32>, vector<16xi32>], vector<16xf32>,
      %mul3A_248 = arith.mulf %gather3A_246, %gather3A_247 : vector<16xf32>
      %add3A_249 = arith.addf %add3A_243, %mul3A_248 : vector<16xf32>
      %broadcast_in_dim3A_250 = arith.constant 38 : i32
      %broadcast_in_dim3A_251 = vector.broadcast %broadcast_in_dim3A_250 : i32 to vector<16xi32>
      %gather3A_252 = tpu.vector_load_idx %arg9[%add3A_21, %broadcast_in_dim3A_251] : memref<512x64xf32, #tpu.memory_space<vmem>>[vector<16xi32>, vector<16xi32>], vector<16xf32>,
      %gather3A_253 = tpu.vector_load_idx %arg10[%add3A_21, %broadcast_in_dim3A_251] : memref<512x64xf32, #tpu.memory_space<vmem>>[vector<16xi32>, vector<16xi32>], vector<16xf32>,
      %mul3A_254 = arith.mulf %gather3A_252, %gather3A_253 : vector<16xf32>
      %add3A_255 = arith.addf %add3A_249, %mul3A_254 : vector<16xf32>
      %broadcast_in_dim3A_256 = arith.constant 39 : i32
      %broadcast_in_dim3A_257 = vector.broadcast %broadcast_in_dim3A_256 : i32 to vector<16xi32>
      %gather3A_258 = tpu.vector_load_idx %arg9[%add3A_21, %broadcast_in_dim3A_257] : memref<512x64xf32, #tpu.memory_space<vmem>>[vector<16xi32>, vector<16xi32>], vector<16xf32>,
      %gather3A_259 = tpu.vector_load_idx %arg10[%add3A_21, %broadcast_in_dim3A_257] : memref<512x64xf32, #tpu.memory_space<vmem>>[vector<16xi32>, vector<16xi32>], vector<16xf32>,
      %mul3A_260 = arith.mulf %gather3A_258, %gather3A_259 : vector<16xf32>
      %add3A_261 = arith.addf %add3A_255, %mul3A_260 : vector<16xf32>
      %broadcast_in_dim3A_262 = arith.constant 40 : i32
      %broadcast_in_dim3A_263 = vector.broadcast %broadcast_in_dim3A_262 : i32 to vector<16xi32>
      %gather3A_264 = tpu.vector_load_idx %arg9[%add3A_21, %broadcast_in_dim3A_263] : memref<512x64xf32, #tpu.memory_space<vmem>>[vector<16xi32>, vector<16xi32>], vector<16xf32>,
      %gather3A_265 = tpu.vector_load_idx %arg10[%add3A_21, %broadcast_in_dim3A_263] : memref<512x64xf32, #tpu.memory_space<vmem>>[vector<16xi32>, vector<16xi32>], vector<16xf32>,
      %mul3A_266 = arith.mulf %gather3A_264, %gather3A_265 : vector<16xf32>
      %add3A_267 = arith.addf %add3A_261, %mul3A_266 : vector<16xf32>
      %broadcast_in_dim3A_268 = arith.constant 41 : i32
      %broadcast_in_dim3A_269 = vector.broadcast %broadcast_in_dim3A_268 : i32 to vector<16xi32>
      %gather3A_270 = tpu.vector_load_idx %arg9[%add3A_21, %broadcast_in_dim3A_269] : memref<512x64xf32, #tpu.memory_space<vmem>>[vector<16xi32>, vector<16xi32>], vector<16xf32>,
      %gather3A_271 = tpu.vector_load_idx %arg10[%add3A_21, %broadcast_in_dim3A_269] : memref<512x64xf32, #tpu.memory_space<vmem>>[vector<16xi32>, vector<16xi32>], vector<16xf32>,
      %mul3A_272 = arith.mulf %gather3A_270, %gather3A_271 : vector<16xf32>
      %add3A_273 = arith.addf %add3A_267, %mul3A_272 : vector<16xf32>
      %broadcast_in_dim3A_274 = arith.constant 42 : i32
      %broadcast_in_dim3A_275 = vector.broadcast %broadcast_in_dim3A_274 : i32 to vector<16xi32>
      %gather3A_276 = tpu.vector_load_idx %arg9[%add3A_21, %broadcast_in_dim3A_275] : memref<512x64xf32, #tpu.memory_space<vmem>>[vector<16xi32>, vector<16xi32>], vector<16xf32>,
      %gather3A_277 = tpu.vector_load_idx %arg10[%add3A_21, %broadcast_in_dim3A_275] : memref<512x64xf32, #tpu.memory_space<vmem>>[vector<16xi32>, vector<16xi32>], vector<16xf32>,
      %mul3A_278 = arith.mulf %gather3A_276, %gather3A_277 : vector<16xf32>
      %add3A_279 = arith.addf %add3A_273, %mul3A_278 : vector<16xf32>
      %broadcast_in_dim3A_280 = arith.constant 43 : i32
      %broadcast_in_dim3A_281 = vector.broadcast %broadcast_in_dim3A_280 : i32 to vector<16xi32>
      %gather3A_282 = tpu.vector_load_idx %arg9[%add3A_21, %broadcast_in_dim3A_281] : memref<512x64xf32, #tpu.memory_space<vmem>>[vector<16xi32>, vector<16xi32>], vector<16xf32>,
      %gather3A_283 = tpu.vector_load_idx %arg10[%add3A_21, %broadcast_in_dim3A_281] : memref<512x64xf32, #tpu.memory_space<vmem>>[vector<16xi32>, vector<16xi32>], vector<16xf32>,
      %mul3A_284 = arith.mulf %gather3A_282, %gather3A_283 : vector<16xf32>
      %add3A_285 = arith.addf %add3A_279, %mul3A_284 : vector<16xf32>
      %broadcast_in_dim3A_286 = arith.constant 44 : i32
      %broadcast_in_dim3A_287 = vector.broadcast %broadcast_in_dim3A_286 : i32 to vector<16xi32>
      %gather3A_288 = tpu.vector_load_idx %arg9[%add3A_21, %broadcast_in_dim3A_287] : memref<512x64xf32, #tpu.memory_space<vmem>>[vector<16xi32>, vector<16xi32>], vector<16xf32>,
      %gather3A_289 = tpu.vector_load_idx %arg10[%add3A_21, %broadcast_in_dim3A_287] : memref<512x64xf32, #tpu.memory_space<vmem>>[vector<16xi32>, vector<16xi32>], vector<16xf32>,
      %mul3A_290 = arith.mulf %gather3A_288, %gather3A_289 : vector<16xf32>
      %add3A_291 = arith.addf %add3A_285, %mul3A_290 : vector<16xf32>
      %broadcast_in_dim3A_292 = arith.constant 45 : i32
      %broadcast_in_dim3A_293 = vector.broadcast %broadcast_in_dim3A_292 : i32 to vector<16xi32>
      %gather3A_294 = tpu.vector_load_idx %arg9[%add3A_21, %broadcast_in_dim3A_293] : memref<512x64xf32, #tpu.memory_space<vmem>>[vector<16xi32>, vector<16xi32>], vector<16xf32>,
      %gather3A_295 = tpu.vector_load_idx %arg10[%add3A_21, %broadcast_in_dim3A_293] : memref<512x64xf32, #tpu.memory_space<vmem>>[vector<16xi32>, vector<16xi32>], vector<16xf32>,
      %mul3A_296 = arith.mulf %gather3A_294, %gather3A_295 : vector<16xf32>
      %add3A_297 = arith.addf %add3A_291, %mul3A_296 : vector<16xf32>
      %broadcast_in_dim3A_298 = arith.constant 46 : i32
      %broadcast_in_dim3A_299 = vector.broadcast %broadcast_in_dim3A_298 : i32 to vector<16xi32>
      %gather3A_300 = tpu.vector_load_idx %arg9[%add3A_21, %broadcast_in_dim3A_299] : memref<512x64xf32, #tpu.memory_space<vmem>>[vector<16xi32>, vector<16xi32>], vector<16xf32>,
      %gather3A_301 = tpu.vector_load_idx %arg10[%add3A_21, %broadcast_in_dim3A_299] : memref<512x64xf32, #tpu.memory_space<vmem>>[vector<16xi32>, vector<16xi32>], vector<16xf32>,
      %mul3A_302 = arith.mulf %gather3A_300, %gather3A_301 : vector<16xf32>
      %add3A_303 = arith.addf %add3A_297, %mul3A_302 : vector<16xf32>
      %broadcast_in_dim3A_304 = arith.constant 47 : i32
      %broadcast_in_dim3A_305 = vector.broadcast %broadcast_in_dim3A_304 : i32 to vector<16xi32>
      %gather3A_306 = tpu.vector_load_idx %arg9[%add3A_21, %broadcast_in_dim3A_305] : memref<512x64xf32, #tpu.memory_space<vmem>>[vector<16xi32>, vector<16xi32>], vector<16xf32>,
      %gather3A_307 = tpu.vector_load_idx %arg10[%add3A_21, %broadcast_in_dim3A_305] : memref<512x64xf32, #tpu.memory_space<vmem>>[vector<16xi32>, vector<16xi32>], vector<16xf32>,
      %mul3A_308 = arith.mulf %gather3A_306, %gather3A_307 : vector<16xf32>
      %add3A_309 = arith.addf %add3A_303, %mul3A_308 : vector<16xf32>
      %broadcast_in_dim3A_310 = arith.constant 48 : i32
      %broadcast_in_dim3A_311 = vector.broadcast %broadcast_in_dim3A_310 : i32 to vector<16xi32>
      %gather3A_312 = tpu.vector_load_idx %arg9[%add3A_21, %broadcast_in_dim3A_311] : memref<512x64xf32, #tpu.memory_space<vmem>>[vector<16xi32>, vector<16xi32>], vector<16xf32>,
      %gather3A_313 = tpu.vector_load_idx %arg10[%add3A_21, %broadcast_in_dim3A_311] : memref<512x64xf32, #tpu.memory_space<vmem>>[vector<16xi32>, vector<16xi32>], vector<16xf32>,
      %mul3A_314 = arith.mulf %gather3A_312, %gather3A_313 : vector<16xf32>
      %add3A_315 = arith.addf %add3A_309, %mul3A_314 : vector<16xf32>
      %broadcast_in_dim3A_316 = arith.constant 49 : i32
      %broadcast_in_dim3A_317 = vector.broadcast %broadcast_in_dim3A_316 : i32 to vector<16xi32>
      %gather3A_318 = tpu.vector_load_idx %arg9[%add3A_21, %broadcast_in_dim3A_317] : memref<512x64xf32, #tpu.memory_space<vmem>>[vector<16xi32>, vector<16xi32>], vector<16xf32>,
      %gather3A_319 = tpu.vector_load_idx %arg10[%add3A_21, %broadcast_in_dim3A_317] : memref<512x64xf32, #tpu.memory_space<vmem>>[vector<16xi32>, vector<16xi32>], vector<16xf32>,
      %mul3A_320 = arith.mulf %gather3A_318, %gather3A_319 : vector<16xf32>
      %add3A_321 = arith.addf %add3A_315, %mul3A_320 : vector<16xf32>
      %broadcast_in_dim3A_322 = arith.constant 50 : i32
      %broadcast_in_dim3A_323 = vector.broadcast %broadcast_in_dim3A_322 : i32 to vector<16xi32>
      %gather3A_324 = tpu.vector_load_idx %arg9[%add3A_21, %broadcast_in_dim3A_323] : memref<512x64xf32, #tpu.memory_space<vmem>>[vector<16xi32>, vector<16xi32>], vector<16xf32>,
      %gather3A_325 = tpu.vector_load_idx %arg10[%add3A_21, %broadcast_in_dim3A_323] : memref<512x64xf32, #tpu.memory_space<vmem>>[vector<16xi32>, vector<16xi32>], vector<16xf32>,
      %mul3A_326 = arith.mulf %gather3A_324, %gather3A_325 : vector<16xf32>
      %add3A_327 = arith.addf %add3A_321, %mul3A_326 : vector<16xf32>
      %broadcast_in_dim3A_328 = arith.constant 51 : i32
      %broadcast_in_dim3A_329 = vector.broadcast %broadcast_in_dim3A_328 : i32 to vector<16xi32>
      %gather3A_330 = tpu.vector_load_idx %arg9[%add3A_21, %broadcast_in_dim3A_329] : memref<512x64xf32, #tpu.memory_space<vmem>>[vector<16xi32>, vector<16xi32>], vector<16xf32>,
      %gather3A_331 = tpu.vector_load_idx %arg10[%add3A_21, %broadcast_in_dim3A_329] : memref<512x64xf32, #tpu.memory_space<vmem>>[vector<16xi32>, vector<16xi32>], vector<16xf32>,
      %mul3A_332 = arith.mulf %gather3A_330, %gather3A_331 : vector<16xf32>
      %add3A_333 = arith.addf %add3A_327, %mul3A_332 : vector<16xf32>
      %broadcast_in_dim3A_334 = arith.constant 52 : i32
      %broadcast_in_dim3A_335 = vector.broadcast %broadcast_in_dim3A_334 : i32 to vector<16xi32>
      %gather3A_336 = tpu.vector_load_idx %arg9[%add3A_21, %broadcast_in_dim3A_335] : memref<512x64xf32, #tpu.memory_space<vmem>>[vector<16xi32>, vector<16xi32>], vector<16xf32>,
      %gather3A_337 = tpu.vector_load_idx %arg10[%add3A_21, %broadcast_in_dim3A_335] : memref<512x64xf32, #tpu.memory_space<vmem>>[vector<16xi32>, vector<16xi32>], vector<16xf32>,
      %mul3A_338 = arith.mulf %gather3A_336, %gather3A_337 : vector<16xf32>
      %add3A_339 = arith.addf %add3A_333, %mul3A_338 : vector<16xf32>
      %broadcast_in_dim3A_340 = arith.constant 53 : i32
      %broadcast_in_dim3A_341 = vector.broadcast %broadcast_in_dim3A_340 : i32 to vector<16xi32>
      %gather3A_342 = tpu.vector_load_idx %arg9[%add3A_21, %broadcast_in_dim3A_341] : memref<512x64xf32, #tpu.memory_space<vmem>>[vector<16xi32>, vector<16xi32>], vector<16xf32>,
      %gather3A_343 = tpu.vector_load_idx %arg10[%add3A_21, %broadcast_in_dim3A_341] : memref<512x64xf32, #tpu.memory_space<vmem>>[vector<16xi32>, vector<16xi32>], vector<16xf32>,
      %mul3A_344 = arith.mulf %gather3A_342, %gather3A_343 : vector<16xf32>
      %add3A_345 = arith.addf %add3A_339, %mul3A_344 : vector<16xf32>
      %broadcast_in_dim3A_346 = arith.constant 54 : i32
      %broadcast_in_dim3A_347 = vector.broadcast %broadcast_in_dim3A_346 : i32 to vector<16xi32>
      %gather3A_348 = tpu.vector_load_idx %arg9[%add3A_21, %broadcast_in_dim3A_347] : memref<512x64xf32, #tpu.memory_space<vmem>>[vector<16xi32>, vector<16xi32>], vector<16xf32>,
      %gather3A_349 = tpu.vector_load_idx %arg10[%add3A_21, %broadcast_in_dim3A_347] : memref<512x64xf32, #tpu.memory_space<vmem>>[vector<16xi32>, vector<16xi32>], vector<16xf32>,
      %mul3A_350 = arith.mulf %gather3A_348, %gather3A_349 : vector<16xf32>
      %add3A_351 = arith.addf %add3A_345, %mul3A_350 : vector<16xf32>
      %broadcast_in_dim3A_352 = arith.constant 55 : i32
      %broadcast_in_dim3A_353 = vector.broadcast %broadcast_in_dim3A_352 : i32 to vector<16xi32>
      %gather3A_354 = tpu.vector_load_idx %arg9[%add3A_21, %broadcast_in_dim3A_353] : memref<512x64xf32, #tpu.memory_space<vmem>>[vector<16xi32>, vector<16xi32>], vector<16xf32>,
      %gather3A_355 = tpu.vector_load_idx %arg10[%add3A_21, %broadcast_in_dim3A_353] : memref<512x64xf32, #tpu.memory_space<vmem>>[vector<16xi32>, vector<16xi32>], vector<16xf32>,
      %mul3A_356 = arith.mulf %gather3A_354, %gather3A_355 : vector<16xf32>
      %add3A_357 = arith.addf %add3A_351, %mul3A_356 : vector<16xf32>
      %broadcast_in_dim3A_358 = arith.constant 56 : i32
      %broadcast_in_dim3A_359 = vector.broadcast %broadcast_in_dim3A_358 : i32 to vector<16xi32>
      %gather3A_360 = tpu.vector_load_idx %arg9[%add3A_21, %broadcast_in_dim3A_359] : memref<512x64xf32, #tpu.memory_space<vmem>>[vector<16xi32>, vector<16xi32>], vector<16xf32>,
      %gather3A_361 = tpu.vector_load_idx %arg10[%add3A_21, %broadcast_in_dim3A_359] : memref<512x64xf32, #tpu.memory_space<vmem>>[vector<16xi32>, vector<16xi32>], vector<16xf32>,
      %mul3A_362 = arith.mulf %gather3A_360, %gather3A_361 : vector<16xf32>
      %add3A_363 = arith.addf %add3A_357, %mul3A_362 : vector<16xf32>
      %broadcast_in_dim3A_364 = arith.constant 57 : i32
      %broadcast_in_dim3A_365 = vector.broadcast %broadcast_in_dim3A_364 : i32 to vector<16xi32>
      %gather3A_366 = tpu.vector_load_idx %arg9[%add3A_21, %broadcast_in_dim3A_365] : memref<512x64xf32, #tpu.memory_space<vmem>>[vector<16xi32>, vector<16xi32>], vector<16xf32>,
      %gather3A_367 = tpu.vector_load_idx %arg10[%add3A_21, %broadcast_in_dim3A_365] : memref<512x64xf32, #tpu.memory_space<vmem>>[vector<16xi32>, vector<16xi32>], vector<16xf32>,
      %mul3A_368 = arith.mulf %gather3A_366, %gather3A_367 : vector<16xf32>
      %add3A_369 = arith.addf %add3A_363, %mul3A_368 : vector<16xf32>
      %broadcast_in_dim3A_370 = arith.constant 58 : i32
      %broadcast_in_dim3A_371 = vector.broadcast %broadcast_in_dim3A_370 : i32 to vector<16xi32>
      %gather3A_372 = tpu.vector_load_idx %arg9[%add3A_21, %broadcast_in_dim3A_371] : memref<512x64xf32, #tpu.memory_space<vmem>>[vector<16xi32>, vector<16xi32>], vector<16xf32>,
      %gather3A_373 = tpu.vector_load_idx %arg10[%add3A_21, %broadcast_in_dim3A_371] : memref<512x64xf32, #tpu.memory_space<vmem>>[vector<16xi32>, vector<16xi32>], vector<16xf32>,
      %mul3A_374 = arith.mulf %gather3A_372, %gather3A_373 : vector<16xf32>
      %add3A_375 = arith.addf %add3A_369, %mul3A_374 : vector<16xf32>
      %broadcast_in_dim3A_376 = arith.constant 59 : i32
      %broadcast_in_dim3A_377 = vector.broadcast %broadcast_in_dim3A_376 : i32 to vector<16xi32>
      %gather3A_378 = tpu.vector_load_idx %arg9[%add3A_21, %broadcast_in_dim3A_377] : memref<512x64xf32, #tpu.memory_space<vmem>>[vector<16xi32>, vector<16xi32>], vector<16xf32>,
      %gather3A_379 = tpu.vector_load_idx %arg10[%add3A_21, %broadcast_in_dim3A_377] : memref<512x64xf32, #tpu.memory_space<vmem>>[vector<16xi32>, vector<16xi32>], vector<16xf32>,
      %mul3A_380 = arith.mulf %gather3A_378, %gather3A_379 : vector<16xf32>
      %add3A_381 = arith.addf %add3A_375, %mul3A_380 : vector<16xf32>
      %broadcast_in_dim3A_382 = arith.constant 60 : i32
      %broadcast_in_dim3A_383 = vector.broadcast %broadcast_in_dim3A_382 : i32 to vector<16xi32>
      %gather3A_384 = tpu.vector_load_idx %arg9[%add3A_21, %broadcast_in_dim3A_383] : memref<512x64xf32, #tpu.memory_space<vmem>>[vector<16xi32>, vector<16xi32>], vector<16xf32>,
      %gather3A_385 = tpu.vector_load_idx %arg10[%add3A_21, %broadcast_in_dim3A_383] : memref<512x64xf32, #tpu.memory_space<vmem>>[vector<16xi32>, vector<16xi32>], vector<16xf32>,
      %mul3A_386 = arith.mulf %gather3A_384, %gather3A_385 : vector<16xf32>
      %add3A_387 = arith.addf %add3A_381, %mul3A_386 : vector<16xf32>
      %broadcast_in_dim3A_388 = arith.constant 61 : i32
      %broadcast_in_dim3A_389 = vector.broadcast %broadcast_in_dim3A_388 : i32 to vector<16xi32>
      %gather3A_390 = tpu.vector_load_idx %arg9[%add3A_21, %broadcast_in_dim3A_389] : memref<512x64xf32, #tpu.memory_space<vmem>>[vector<16xi32>, vector<16xi32>], vector<16xf32>,
      %gather3A_391 = tpu.vector_load_idx %arg10[%add3A_21, %broadcast_in_dim3A_389] : memref<512x64xf32, #tpu.memory_space<vmem>>[vector<16xi32>, vector<16xi32>], vector<16xf32>,
      %mul3A_392 = arith.mulf %gather3A_390, %gather3A_391 : vector<16xf32>
      %add3A_393 = arith.addf %add3A_387, %mul3A_392 : vector<16xf32>
      %broadcast_in_dim3A_394 = arith.constant 62 : i32
      %broadcast_in_dim3A_395 = vector.broadcast %broadcast_in_dim3A_394 : i32 to vector<16xi32>
      %gather3A_396 = tpu.vector_load_idx %arg9[%add3A_21, %broadcast_in_dim3A_395] : memref<512x64xf32, #tpu.memory_space<vmem>>[vector<16xi32>, vector<16xi32>], vector<16xf32>,
      %gather3A_397 = tpu.vector_load_idx %arg10[%add3A_21, %broadcast_in_dim3A_395] : memref<512x64xf32, #tpu.memory_space<vmem>>[vector<16xi32>, vector<16xi32>], vector<16xf32>,
      %mul3A_398 = arith.mulf %gather3A_396, %gather3A_397 : vector<16xf32>
      %add3A_399 = arith.addf %add3A_393, %mul3A_398 : vector<16xf32>
      %broadcast_in_dim3A_400 = arith.constant 63 : i32
      %broadcast_in_dim3A_401 = vector.broadcast %broadcast_in_dim3A_400 : i32 to vector<16xi32>
      %gather3A_402 = tpu.vector_load_idx %arg9[%add3A_21, %broadcast_in_dim3A_401] : memref<512x64xf32, #tpu.memory_space<vmem>>[vector<16xi32>, vector<16xi32>], vector<16xf32>,
      %gather3A_403 = tpu.vector_load_idx %arg10[%add3A_21, %broadcast_in_dim3A_401] : memref<512x64xf32, #tpu.memory_space<vmem>>[vector<16xi32>, vector<16xi32>], vector<16xf32>,
      %mul3A_404 = arith.mulf %gather3A_402, %gather3A_403 : vector<16xf32>
      %add3A_405 = arith.addf %add3A_399, %mul3A_404 : vector<16xf32>
      %mul3A_406 = arith.constant 16 : i32
      %mul3A_407 = arith.muli %scan3A_17, %mul3A_406 : i32
      %swap3A = arith.index_cast %mul3A_407 : i32 to index
      %swap3A_408 = tpu.vector_load %arg11[%swap3A] {strides = array<i32>} : memref<512xf32, #tpu.memory_space<vmem>>, vector<16xf32>,
      tpu.vector_store %arg11[%swap3A], %add3A_405 {strides = array<i32>} : memref<512xf32, #tpu.memory_space<vmem>>, vector<16xf32>,
    }
    %scan3A_16 = arith.constant 32 : i32
    "tpu.region"() ({
      %run_scoped3A = tpu.sem_alloc : memref<!tpu.dma_semaphore, #tpu.memory_space<semaphore_mem>>
      %dma_start3A_17 = tpu.memref_slice %arg6[%mul3A_2] : memref<16384xf32, #tpu.memory_space<hbm>> -> memref<512xf32, #tpu.memory_space<hbm>>
      %dma_start3A_18 = tpu.memref_slice %arg6[%mul3A_2] : memref<16384xf32, #tpu.memory_space<hbm>> -> memref<512xf32, #tpu.memory_space<hbm>>
      tpu.enqueue_dma source(%arg11 : memref<512xf32, #tpu.memory_space<vmem>>) target(%dma_start3A_18 : memref<512xf32, #tpu.memory_space<hbm>>) target_semaphore(%run_scoped3A : memref<!tpu.dma_semaphore, #tpu.memory_space<semaphore_mem>>)
      %dma_wait3A_19 = tpu.memref_slice %arg6[%mul3A_2] : memref<16384xf32, #tpu.memory_space<hbm>> -> memref<512xf32, #tpu.memory_space<hbm>>
      %dma_wait3A_20 = tpu.memref_slice %arg6[%mul3A_2] : memref<16384xf32, #tpu.memory_space<hbm>> -> memref<512xf32, #tpu.memory_space<hbm>>
      tpu.wait_dma2 semaphore(%run_scoped3A : memref<!tpu.dma_semaphore, #tpu.memory_space<semaphore_mem>>) src(%arg11 : memref<512xf32, #tpu.memory_space<vmem>>) dst(%dma_wait3A_20 : memref<512xf32, #tpu.memory_space<hbm>>)
      tpu.yield
    }) : () -> ()
    return
  }
}

</mosaic_0001>

<sc_bundles>
// kernel: _mf.3.cloned.1.call-start
scs
__scs_entry_jumppad:
0x0: {  	(pc) =	sbr.rel $0x88, $3  }
0x1: {  	(tag) =	ssettag $0x0;
	lr =	simm.s32 $0x1  }
0x2: {  	[smem:$0x3F9D] =	sst lr;
	_ =	strace $0xD0000000  }
0x3: {  	_ = 	snop  }
0x4: {  	_ = 	snop  }
0x5: {  	_ = 	snop  }
0x6: {  	_ = 	snop  }
0x7: {  	_ = 	snop  }
__scs_overlays_trampoline_lowered:
0x8: {  	[smem:$0x3FAC] =	sst s0  }
0x9: {  	[smem:$0x3FAD] =	sst s1  }
0xa: {  	[smem:$0x3FAE] =	sst s2  }
0xb: {  	[smem:$0x3FAF] =	sst s3  }
0xc: {  	[smem:$0x3FB0] =	sst s4  }
0xd: {  	[smem:$0x3FB1] =	sst s5  }
0xe: {  	[smem:$0x3FB2] =	sst s6  }
0xf: {  	[smem:$0x3FB3] =	sst s7  }
0x10: {  	[smem:$0x3FB4] =	sst s8  }
0x11: {  	[smem:$0x3FB5] =	sst s9;
	s0 =	simm.s32 @!p0 $0x0  }
0x12: {  	s1 =	sld [smem:$0x3F9B];
	s0 =	simm.s32 @p0 $0x1  }
0x13: {  	[smem:$0x3FB6] =	sst s0;
	s0 =	simm.s32 @!p1 $0x0  }
0x14: {  	s2 =	sld [smem:$0x3F9A];
	s0 =	simm.s32 @p1 $0x1  }
0x15: {  	[smem:$0x3FB7] =	sst s0;
	s0 =	simm.s32 @!p2 $0x0  }
0x16: {  	s3 =	sld [smem:$0x3FDB];
	s0 =	simm.s32 @p2 $0x1  }
0x17: {  	s4 =	simm.s32 $0x1BF5;
	[smem:$0x3FB9] =	sst s0  }
0x18: {  	s0 =	sld [smem:$0x3F9C];
	_ =	swait.ge [sflag:s4], $0x0  }
0x19: {  	s7 =	sld [smem:$0x3F9D]  }
0x1a: {  	s8 =	sadd.s32 $0xFFFFE003, lr  }
0x1b: {  	s9 =	sadd.s32 $0xFFFFFEF7, lr;
	s5 =	simm.s32 $0xFFFFFFFF;
	p2 =	slt.u32 s8, $0xFFFFF086  }
0x1c: {  	p1 =	slt.u32 s9, $0xF7A;
	s5 =	simm.s32 @!p2 $0x0  }
0x1d: {  	s5 =	simm.s32 @p1 $0x1;
	p0 =	seq.s32 s7, s2  }
0x1e: {  	s7 =	smul.u32 @!p0 $0xF7A, s2;
	p2 =	seq.s32 @!p0 s5, $0x0  }
0x1f: {  	s9 =	smul.u32 $0xF7A, s1;
	s8 =	simm.s32 @!p0 $0x1BF5;
	p2 =	por !p2, p0  }
0x20: {  	[sflag:s8] =	ssyncset.s32 @!p0 $0xFFFFF086;
	s6 =	sadd.s32 @!p0 s3, s7;
	s7 =	simm.s32 @!p0 $0x108  }
0x21: {  	s3 =	sadd.s32 s3, s9;
	s6 =	sadd.s32 @!p0 $0x88, s6;
	s7 =	simm.s32 @p2 $0x1082  }
0x22: {  	[simem:s7], [sflag:s8] =	dma.local @!p0 [hbm:s6], $0xF7A  }
0x23: {  	s9 =	sor.u32 $0xD0000000, s2;
	s6 =	simm.s32 $0x108;
	_ =	swait.ge @!p0 [sflag:s8], $0x0  }
0x24: {  	s3 =	sadd.s32 $0x88, s3;
	s6 =	simm.s32 @!p1 $0x1082;
	[sflag:s4] =	ssyncset.s32 $0xFFFFF086  }
0x25: {  	[simem:s6], [sflag:s4] =	dma.local [hbm:s3], $0xF7A  }
0x26: {  	[smem:$0x3F9D] =	sst s1;
	(tag) =	ssettag s2;
	_ =	strace s9  }
0x27: {  	s1 =	sld [smem:$0x3FAD]  }
0x28: {  	s2 =	sld [smem:$0x3FAE]  }
0x29: {  	s4 =	sld [smem:$0x3FB0]  }
0x2a: {  	p0 =	seq.s32 s5, $0x0;
	s5 =	sld [smem:$0x3FB1]  }
0x2b: {  	s6 =	sld [smem:$0x3FB2]  }
0x2c: {  	s7 =	sld [smem:$0x3FB3]  }
0x2d: {  	s3 =	simm.s32 $0x108;
	s8 =	sld [smem:$0x3FB4]  }
0x2e: {  	s3 =	simm.s32 @!p0 $0x1082;
	s9 =	sld [smem:$0x3FB5]  }
0x2f: {  	lr =	sadd.s32 s0, s3;
	s0 =	sld [smem:$0x3FAC]  }
0x30: {  	s3 =	sld [smem:$0x3FAF]  }
0x31: {  	[smem:$0x3FB8] =	sst s10  }
0x32: {  	s10 =	sld [smem:$0x3FB6];
	_ =	sdelay $0x3  }
0x33: {  	p0 =	seq.s32 s10, $0x1;
	s10 =	sld [smem:$0x3FB8];
	_ =	sdelay $0x3  }
0x34: {  	[smem:$0x3FB8] =	sst s10  }
0x35: {  	s10 =	sld [smem:$0x3FB7];
	_ =	sdelay $0x3  }
0x36: {  	p1 =	seq.s32 s10, $0x1;
	s10 =	sld [smem:$0x3FB8];
	_ =	sdelay $0x3  }
0x37: {  	[smem:$0x3FB8] =	sst s10  }
0x38: {  	s10 =	sld [smem:$0x3FB9]  }
0x39: {  	_ = 	snop;
	(pc) =	sbr.ind lr, $3  }
0x3a: {  	_ = 	snop  }
0x3b: {  	_ = 	snop  }
0x3c: {  	p2 =	seq.s32 s10, $0x1;
	s10 =	sld [smem:$0x3FB8]  }
0x3d: {  	_ =	shalt  }
0x3e: {  	_ =	shalt  }
0x3f: {  	_ =	shalt  }
0x40: {  	_ =	shalt  }
0x41: {  	_ =	shalt  }
0x42: {  	_ =	shalt  }
0x43: {  	_ =	shalt  }
0x44: {  	_ =	shalt  }
0x45: {  	_ =	shalt  }
0x46: {  	_ =	shalt  }
0x47: {  	_ =	shalt  }
0x48: {  	_ =	shalt  }
0x49: {  	_ =	shalt  }
0x4a: {  	_ =	shalt  }
0x4b: {  	_ =	shalt  }
0x4c: {  	_ =	shalt  }
0x4d: {  	_ =	shalt  }
0x4e: {  	_ =	shalt  }
0x4f: {  	_ =	shalt  }
0x50: {  	_ =	shalt  }
0x51: {  	_ =	shalt  }
0x52: {  	_ =	shalt  }
0x53: {  	_ =	shalt  }
0x54: {  	_ =	shalt  }
0x55: {  	_ =	shalt  }
0x56: {  	_ =	shalt  }
0x57: {  	_ =	shalt  }
0x58: {  	_ =	shalt  }
0x59: {  	_ =	shalt  }
0x5a: {  	_ =	shalt  }
0x5b: {  	_ =	shalt  }
0x5c: {  	_ =	shalt  }
0x5d: {  	_ =	shalt  }
0x5e: {  	_ =	shalt  }
0x5f: {  	_ =	shalt  }
0x60: {  	_ =	shalt  }
0x61: {  	_ =	shalt  }
0x62: {  	_ =	shalt  }
0x63: {  	_ =	shalt  }
0x64: {  	_ =	shalt  }
0x65: {  	_ =	shalt  }
0x66: {  	_ =	shalt  }
0x67: {  	_ =	shalt  }
0x68: {  	_ =	shalt  }
0x69: {  	_ =	shalt  }
0x6a: {  	_ =	shalt  }
0x6b: {  	_ =	shalt  }
0x6c: {  	_ =	shalt  }
0x6d: {  	_ =	shalt  }
0x6e: {  	_ =	shalt  }
0x6f: {  	_ =	shalt  }
0x70: {  	_ =	shalt  }
0x71: {  	_ =	shalt  }
0x72: {  	_ =	shalt  }
0x73: {  	_ =	shalt  }
0x74: {  	_ =	shalt  }
0x75: {  	_ =	shalt  }
0x76: {  	_ =	shalt  }
0x77: {  	_ =	shalt  }
0x78: {  	_ =	shalt  }
0x79: {  	_ =	shalt  }
0x7a: {  	_ =	shalt  }
0x7b: {  	_ =	shalt  }
0x7c: {  	_ =	shalt  }
0x7d: {  	_ =	shalt  }
0x7e: {  	_ =	shalt  }
0x7f: {  	_ =	shalt  }
0x80: {  	_ =	shalt  }
0x81: {  	_ =	shalt  }
0x82: {  	_ =	shalt  }
0x83: {  	_ =	shalt  }
0x84: {  	_ =	shalt  }
0x85: {  	_ =	shalt  }
0x86: {  	_ =	shalt  }
0x87: {  	_ =	shalt  }
.Lfunc_end0:
.L_simem_size_0:
called_computation_lowered:
.L_overlay_start_0:
0x88: {  	s2 =	sld [smem:$0x3FD9]  }
0x89: {  	s3 =	sld [smem:$0x3FFE];
	_ =	sdelay $0x1  }
0x8a: {  	s1 =	srdreg.scid  }
0x8b: {  	s0 =	sand.u32 $0x1, s1  }
0x8c: {  	s17 =	sshll.u32 s0, $0xA;
	s2 =	sadd.s32 s3, s2  }
0x8d: {  	s2 =	sadd.s32 s2, s17  }
0x8e: {  	[smem:$0x3FC4] =	sst s2  }
0x8f: {  	_ = 	snop  }
0x90: {  	s2 =	sld [smem:$0x3FC9]  }
0x91: {  	s18 =	sld [smem:$0x3FC8]  }
0x92: {  	s4 =	sld [smem:$0x3FD0];
	(tm) =	ssettm $0x1  }
0x93: {  	s5 =	sld [smem:$0x3FFB];
	_ =	sdelay $0x3  }
0x94: {  	_ =	strace s5  }
0x95: {  	s5 =	sld [smem:$0x3FFC];
	_ =	sdelay $0x3  }
0x96: {  	_ =	strace s5  }
0x97: {  	s5 =	sld [smem:$0x3FFD];
	_ =	sdelay $0x3  }
0x98: {  	_ =	strace s5  }
0x99: {  	_ =	strace $0x8FFFFFFF  }
0x9a: {  	s19 =	sld [smem:$0x3FDB];
	_ =	sdelay $0x1  }
0x9b: {  	s6 =	simm.s32 $_scs_section_size  }
0x9c: {  	s7 =	simm.s32 $_size__tile_overlayer_lowered;
	s8 =	simm.s32 $_tile_overlayer_lowered  }
0x9d: {  	s22 =	simm.s32 $0x1BFF;
	s21 =	sshll.u32 s8, $0x1;
	s5 =	sadd.s32 s6, s19  }
0x9e: {  	s9 =	simm.s32 $0x0;
	s20 =	sshll.u32 s7, $0x1;
	s7 =	sadd.s32 s21, s5  }
0x9f: {  	[timem:s9], [sflag:s22] =	dma.local [hbm:s7], s20  }
0xa0: {  	_ =	swait.ge [sflag:s22], s20  }
0xa1: {  	s6 =	ssub.s32 $0x0, s20;
	[sflag:s22] =	ssyncset.done $0x0  }
0xa2: {  	[sflag:s22] =	ssyncadd.s32 s6;
	_ =	sdelay $0x1  }
0xa3: {  	s23 =	simm.s32 $0x1B8B  }
0xa4: {  	_ =	swait.ge [sflag:s23], $0x1  }
0xa5: {  	[sflag:s23] =	ssyncset.done $0x0  }
0xa6: {  	s25 =	simm.s32 $0x1B8E;
	s24 =	sld [smem:$0x3FFE];
	[sflag:s23] =	ssyncadd.s32 $0xFFFFFFFF  }
0xa7: {  	s26 =	simm.s32 $execute0_lowered;
	[smem:$0x3FD2] =	sst s25  }
0xa8: {  	s7 =	sshll.u32 s26, $0x1;
	_ =	strace $0x80000046;
	[dreg:$0x1] =	wrdreg $0xFFFFFFFF  }
0xa9: {  	s28 =	simm.s32 $_size_execute0_lowered;
	s5 =	sadd.s32 s5, s7;
	[dreg:$0x0] =	wrdreg $0x0  }
0xaa: {  	s7 =	sshll.u32 s28, $0x1;
	[dreg:$0x2] =	wrdreg s5  }
0xab: {  	[dreg:$0x3] =	wrdreg s7  }
0xac: {  	[dreg:$0x4] =	wrdreg $0xC0  }
0xad: {  	_ =	task [dreg:s9], $0x5FFFF  }
0xae: {  	[dreg:$0x1] =	wrdreg $0xFFFFFFFF  }
0xaf: {  	[dreg:$0x0] =	wrdreg $0x60  }
0xb0: {  	[dreg:$0x2] =	wrdreg s2  }
0xb1: {  	[dreg:$0x3] =	wrdreg s18  }
0xb2: {  	[dreg:$0x4] =	wrdreg s24  }
0xb3: {  	[dreg:$0x5] =	wrdreg s4  }
0xb4: {  	[dreg:$0x6] =	wrdreg $0x9  }
0xb5: {  	_ =	task.clear_ibuf [dreg:s9], $0x7FFFF;
	_ =	strace $0x90000046  }
0xb6: {  	s29 =	simm.s32 $0x9;
	_ =	strace $0x80000048  }
0xb7: {  	_ =	swait.ge [sflag:s29], $0x1  }
0xb8: {  	[sflag:s29] =	ssyncadd.s32 $0xFFFFFFFF  }
0xb9: {  	_ =	strace $0x90000048  }
0xba: {  	_ =	sfence  }
0xbb: {  	s30 =	sld [smem:$0x0];
	_ =	sdelay $0x2  }
0xbc: {  	s31 =	sshll.u32 s1, $0xD;
	s1 =	sshrl.u32 s1, $0x2  }
0xbd: {  	s3 =	sand.u32 $0x4000, s31;
	s1 =	sadd.s32 s1, s30  }
0xbe: {  	s0 =	sor.u32 s3, s0;
	s1 =	sshll.u32 s1, $0x11  }
0xbf: {  	s0 =	sor.u32 s1, s0  }
0xc0: {  	s0 =	sadd.s32 $0x8F2B, s0  }
0xc1: {  	[sflag:s0] =	ssyncadd.remote.s32 $0x1  }
0xc2: {  	_ =	sfence.sel $0xFFFF  }
0xc3: {  	[dreg:$0x0] =	wrdreg $0xFFFFFFFF;
	(pc) =	sbr.abs _section_cstart, $3  }
0xc4: {  	[dreg:$0x1] =	wrdreg $0xFFFFFFFF  }
0xc5: {  	_ =	task.clear_ibuf [dreg:s9], $0x2FFFF;
	_ =	strace $0x9FFFFFFF  }
0xc6: {  	(tm) =	ssettm $0x7FFFFFFF  }
0xc7: {  	_ =	shalt  }
tec
execute0_lowered:
.L_overlay_start_1:
0x0: {  	(tag) =	ssettag $0x1  }
0x1: {  	s5 =	rddreg [dreg:$0x0]  }
0x2: {  	s6 =	rddreg [dreg:$0x1]  }
0x3: {  	s4 =	rddreg [dreg:$0x2]  }
0x4: {  	s7 =	rddreg [dreg:$0x3]  }
0x5: {  	s0 =	rddreg [dreg:$0x4];
	s1 =	simm.s32 $0x0;
	s2 =	srdreg.scid  }
0x6: {  	s12 =	simm.s32 $0x8400;
	s13 =	simm.s32 $0x1;
	s14 =	simm.s32 $0x2  }
0x7: {  	s15 =	simm.s32 $0x10400;
	s16 =	simm.s32 $0x0;
	[smem:$0x7FF] =	sst s1  }
0x8: {  	s8 =	sand.u32 $0x1, s2;
	s3 =	sadd.s32 $0xF42A00, s4;
	s2 =	stileid.u32  }
0x9: {  	s4 =	sadd.s32 $0x187000, s4;
	_ =	strace $0x80000047;
	s9 =	ssub.s32 $0x2, s8  }
0xa: {  	s11 =	sshll.u32 s2, $0x7;
	s8 =	sshll.u32 s8, $0x6;
	s10 =	sshrl.u32 s9, $0x1  }
0xb: {  	v0 =	vlaneseq.u32;
	s8 =	sor.u32 s8, s11;
	s11 =	simm.s32 $0x400;
	s9 =	ssub.s32 s9, s10  }
0xc: {  	v0 =	vmul.u32 $0x40, v0;
	s5 =	sadd.s32 s5, s8;
	s6 =	sadd.s32 s6, s8;
	s7 =	sadd.s32 s7, s8  }
0xd: {  	s10 =	simm.s32 $0x200;
	s8 =	smax.u32 s9, $0x1;
	s9 =	simm.s32 $0x3  }
.LBB2_1:
0xe: {  	[tilespmem:s1], [sflag:$0x3] =	stream.linear.gather [hbm4b:s5+s1], $0x200, $0x38;
	[tilespmem:$0x10600] =	vst v63  }
0xf: {  	_ =	swait.ge [sflag:s9], $0x200  }
0x10: {  	[sflag:s9] =	ssyncset.done $0x0  }
0x11: {  	[sflag:s9] =	ssyncadd.s32 $0xFFFFFE00  }
0x12: {  	[tilespmem:s10], [sflag:$0x3] =	stream.linear.gather [hbm4b:s6+s1], $0x200, $0x38;
	[tilespmem:$0x10600] =	vst v63  }
0x13: {  	_ =	swait.ge [sflag:s9], $0x200  }
0x14: {  	[sflag:s9] =	ssyncset.done $0x0  }
0x15: {  	[sflag:s9] =	ssyncadd.s32 $0xFFFFFE00  }
0x16: {  	[tilespmem:s11], [sflag:$0x1] =	stream.indirect.gather [hbm4b:s3+s10], $0x40, s1, s10, $0xb8;
	[tilespmem:$0x10600] =	vst v63  }
0x17: {  	_ = 	snop  }
0x18: {  	v1 =	vmov s1;
	[tilespmem:s12], [sflag:$0x2] =	stream.indirect.gather [hbm4b:s4+s10], $0x40, s10, s10, $0xb8;
	[tilespmem:$0x10600] =	vst v63  }
0x19: {  	v1 =	vshll.u32 v1, $0x6;
	_ =	swait.ge [sflag:s13], $0x8000  }
0x1a: {  	v1 =	vor.u32 v0, v1;
	[sflag:s13] =	ssyncset.done $0x0  }
0x1b: {  	[sflag:s13] =	ssyncadd.s32 $0xFFFF8000  }
0x1c: {  	v2 =	vor.u32 $0x1, v1;
	_ =	swait.ge [sflag:s14], $0x8000  }
0x1d: {  	[sflag:s14] =	ssyncset.done $0x0  }
0x1e: {  	v3 =	vor.u32 $0x2, v1;
	[sflag:s14] =	ssyncadd.s32 $0xFFFF8000  }
0x1f: {  	v4 =	vld.idx.msk [tilespmem:v1+s12+$0x0], $0xffff  }
0x20: {  	v6 =	vor.u32 $0x3, v1;
	v5 =	vld.idx.msk [tilespmem:v1+s11+$0x0], $0xffff  }
0x21: {  	v7 =	vld.idx.msk [tilespmem:v2+s11+$0x0], $0xffff  }
0x22: {  	v8 =	vor.u32 $0x4, v1;
	v2 =	vld.idx.msk [tilespmem:v2+s12+$0x0], $0xffff  }
0x23: {  	v9 =	vld.idx.msk [tilespmem:v3+s11+$0x0], $0xffff  }
0x24: {  	v10 =	vor.u32 $0x5, v1;
	v3 =	vld.idx.msk [tilespmem:v3+s12+$0x0], $0xffff  }
0x25: {  	v11 =	vld.idx.msk [tilespmem:v6+s11+$0x0], $0xffff;
	v4 =	vmul.f32 v4, v5  }
0x26: {  	v5 =	vld.idx.msk [tilespmem:v6+s12+$0x0], $0xffff;
	v6 =	vor.u32 $0x6, v1  }
0x27: {  	v12 =	vld.idx.msk [tilespmem:v8+s11+$0x0], $0xffff;
	v2 =	vmul.f32 v2, v7;
	v4 =	vadd.f32 $0.0e+00, v4  }
0x28: {  	v61 =	vor.u32 $0x7, v1;
	v7 =	vld.idx.msk [tilespmem:v8+s12+$0x0], $0xffff  }
0x29: {  	v13 =	vld.idx.msk [tilespmem:v10+s11+$0x0], $0xffff;
	v3 =	vmul.f32 v3, v9;
	v2 =	vadd.f32 v2, v4  }
0x2a: {  	v62 =	vor.u32 $0x8, v1;
	v4 =	vld.idx.msk [tilespmem:v10+s12+$0x0], $0xffff  }
0x2b: {  	v63 =	vld.idx.msk [tilespmem:v6+s11+$0x0], $0xffff;
	v2 =	vadd.f32 v3, v2;
	v3 =	vmul.f32 v5, v11  }
0x2c: {  	v5 =	vld.idx.msk [tilespmem:v6+s12+$0x0], $0xffff;
	v6 =	vor.u32 $0x9, v1  }
0x2d: {  	v16 =	vld.idx.msk [tilespmem:v61+s11+$0x0], $0xffff;
	v2 =	vadd.f32 v3, v2;
	v3 =	vmul.f32 v7, v12  }
0x2e: {  	v17 =	vor.u32 $0xA, v1;
	v7 =	vld.idx.msk [tilespmem:v61+s12+$0x0], $0xffff  }
0x2f: {  	v18 =	vld.idx.msk [tilespmem:v62+s11+$0x0], $0xffff;
	v2 =	vadd.f32 v3, v2;
	v3 =	vmul.f32 v4, v13  }
0x30: {  	v19 =	vor.u32 $0xB, v1;
	v4 =	vld.idx.msk [tilespmem:v62+s12+$0x0], $0xffff  }
0x31: {  	v20 =	vld.idx.msk [tilespmem:v6+s11+$0x0], $0xffff;
	v2 =	vadd.f32 v3, v2;
	v3 =	vmul.f32 v5, v63  }
0x32: {  	v5 =	vld.idx.msk [tilespmem:v6+s12+$0x0], $0xffff;
	v6 =	vor.u32 $0xC, v1  }
0x33: {  	v21 =	vld.idx.msk [tilespmem:v17+s11+$0x0], $0xffff;
	v2 =	vadd.f32 v3, v2;
	v3 =	vmul.f32 v7, v16  }
0x34: {  	v22 =	vor.u32 $0xD, v1;
	v7 =	vld.idx.msk [tilespmem:v17+s12+$0x0], $0xffff  }
0x35: {  	v23 =	vld.idx.msk [tilespmem:v19+s11+$0x0], $0xffff;
	v2 =	vadd.f32 v3, v2;
	v3 =	vmul.f32 v4, v18  }
0x36: {  	v24 =	vor.u32 $0xE, v1;
	v4 =	vld.idx.msk [tilespmem:v19+s12+$0x0], $0xffff  }
0x37: {  	v25 =	vld.idx.msk [tilespmem:v6+s11+$0x0], $0xffff;
	v2 =	vadd.f32 v3, v2;
	v3 =	vmul.f32 v5, v20  }
0x38: {  	v5 =	vld.idx.msk [tilespmem:v6+s12+$0x0], $0xffff;
	v6 =	vor.u32 $0xF, v1  }
0x39: {  	v26 =	vld.idx.msk [tilespmem:v22+s11+$0x0], $0xffff;
	v2 =	vadd.f32 v3, v2;
	v3 =	vmul.f32 v7, v21  }
0x3a: {  	v27 =	vor.u32 $0x10, v1;
	v7 =	vld.idx.msk [tilespmem:v22+s12+$0x0], $0xffff  }
0x3b: {  	v28 =	vld.idx.msk [tilespmem:v24+s11+$0x0], $0xffff;
	v2 =	vadd.f32 v3, v2;
	v3 =	vmul.f32 v4, v23  }
0x3c: {  	v29 =	vor.u32 $0x11, v1;
	v4 =	vld.idx.msk [tilespmem:v24+s12+$0x0], $0xffff  }
0x3d: {  	v30 =	vld.idx.msk [tilespmem:v6+s11+$0x0], $0xffff;
	v2 =	vadd.f32 v3, v2;
	v3 =	vmul.f32 v5, v25  }
0x3e: {  	v5 =	vld.idx.msk [tilespmem:v6+s12+$0x0], $0xffff;
	v6 =	vor.u32 $0x12, v1  }
0x3f: {  	v31 =	vld.idx.msk [tilespmem:v27+s11+$0x0], $0xffff;
	v2 =	vadd.f32 v3, v2;
	v3 =	vmul.f32 v7, v26  }
0x40: {  	v32 =	vor.u32 $0x13, v1;
	v7 =	vld.idx.msk [tilespmem:v27+s12+$0x0], $0xffff  }
0x41: {  	v33 =	vld.idx.msk [tilespmem:v29+s11+$0x0], $0xffff;
	v2 =	vadd.f32 v3, v2;
	v3 =	vmul.f32 v4, v28  }
0x42: {  	v34 =	vor.u32 $0x14, v1;
	v4 =	vld.idx.msk [tilespmem:v29+s12+$0x0], $0xffff  }
0x43: {  	v35 =	vld.idx.msk [tilespmem:v6+s11+$0x0], $0xffff;
	v2 =	vadd.f32 v3, v2;
	v3 =	vmul.f32 v5, v30  }
0x44: {  	v5 =	vld.idx.msk [tilespmem:v6+s12+$0x0], $0xffff;
	v6 =	vor.u32 $0x15, v1  }
0x45: {  	v36 =	vld.idx.msk [tilespmem:v32+s11+$0x0], $0xffff;
	v2 =	vadd.f32 v3, v2;
	v3 =	vmul.f32 v7, v31  }
0x46: {  	v37 =	vor.u32 $0x16, v1;
	v7 =	vld.idx.msk [tilespmem:v32+s12+$0x0], $0xffff  }
0x47: {  	v38 =	vld.idx.msk [tilespmem:v34+s11+$0x0], $0xffff;
	v2 =	vadd.f32 v3, v2;
	v3 =	vmul.f32 v4, v33  }
0x48: {  	v39 =	vor.u32 $0x17, v1;
	v4 =	vld.idx.msk [tilespmem:v34+s12+$0x0], $0xffff  }
0x49: {  	v40 =	vld.idx.msk [tilespmem:v6+s11+$0x0], $0xffff;
	v2 =	vadd.f32 v3, v2;
	v3 =	vmul.f32 v5, v35  }
0x4a: {  	v5 =	vld.idx.msk [tilespmem:v6+s12+$0x0], $0xffff;
	v6 =	vor.u32 $0x18, v1  }
0x4b: {  	v41 =	vld.idx.msk [tilespmem:v37+s11+$0x0], $0xffff;
	v2 =	vadd.f32 v3, v2;
	v3 =	vmul.f32 v7, v36  }
0x4c: {  	v42 =	vor.u32 $0x19, v1;
	v7 =	vld.idx.msk [tilespmem:v37+s12+$0x0], $0xffff  }
0x4d: {  	v43 =	vld.idx.msk [tilespmem:v39+s11+$0x0], $0xffff;
	v2 =	vadd.f32 v3, v2;
	v3 =	vmul.f32 v4, v38  }
0x4e: {  	v44 =	vor.u32 $0x1A, v1;
	v4 =	vld.idx.msk [tilespmem:v39+s12+$0x0], $0xffff  }
0x4f: {  	v45 =	vld.idx.msk [tilespmem:v6+s11+$0x0], $0xffff;
	v2 =	vadd.f32 v3, v2;
	v3 =	vmul.f32 v5, v40  }
0x50: {  	v5 =	vld.idx.msk [tilespmem:v6+s12+$0x0], $0xffff;
	v6 =	vor.u32 $0x1B, v1  }
0x51: {  	v46 =	vld.idx.msk [tilespmem:v42+s11+$0x0], $0xffff;
	v2 =	vadd.f32 v3, v2;
	v3 =	vmul.f32 v7, v41  }
0x52: {  	v47 =	vor.u32 $0x1C, v1;
	v7 =	vld.idx.msk [tilespmem:v42+s12+$0x0], $0xffff  }
0x53: {  	v48 =	vld.idx.msk [tilespmem:v44+s11+$0x0], $0xffff;
	v2 =	vadd.f32 v3, v2;
	v3 =	vmul.f32 v4, v43  }
0x54: {  	v49 =	vor.u32 $0x1D, v1;
	v4 =	vld.idx.msk [tilespmem:v44+s12+$0x0], $0xffff  }
0x55: {  	v50 =	vld.idx.msk [tilespmem:v6+s11+$0x0], $0xffff;
	v2 =	vadd.f32 v3, v2;
	v3 =	vmul.f32 v5, v45  }
0x56: {  	v5 =	vld.idx.msk [tilespmem:v6+s12+$0x0], $0xffff;
	v6 =	vor.u32 $0x1E, v1  }
0x57: {  	v51 =	vld.idx.msk [tilespmem:v47+s11+$0x0], $0xffff;
	v2 =	vadd.f32 v3, v2;
	v3 =	vmul.f32 v7, v46  }
0x58: {  	v52 =	vor.u32 $0x1F, v1;
	v7 =	vld.idx.msk [tilespmem:v47+s12+$0x0], $0xffff  }
0x59: {  	v53 =	vld.idx.msk [tilespmem:v49+s11+$0x0], $0xffff;
	v2 =	vadd.f32 v3, v2;
	v3 =	vmul.f32 v4, v48  }
0x5a: {  	v54 =	vor.u32 $0x20, v1;
	v4 =	vld.idx.msk [tilespmem:v49+s12+$0x0], $0xffff  }
0x5b: {  	v55 =	vld.idx.msk [tilespmem:v6+s11+$0x0], $0xffff;
	v2 =	vadd.f32 v3, v2;
	v3 =	vmul.f32 v5, v50  }
0x5c: {  	v5 =	vld.idx.msk [tilespmem:v6+s12+$0x0], $0xffff;
	v6 =	vor.u32 $0x21, v1  }
0x5d: {  	v56 =	vld.idx.msk [tilespmem:v52+s11+$0x0], $0xffff;
	v2 =	vadd.f32 v3, v2;
	v3 =	vmul.f32 v7, v51  }
0x5e: {  	v57 =	vor.u32 $0x22, v1;
	v7 =	vld.idx.msk [tilespmem:v52+s12+$0x0], $0xffff  }
0x5f: {  	v58 =	vld.idx.msk [tilespmem:v54+s11+$0x0], $0xffff;
	v2 =	vadd.f32 v3, v2;
	v3 =	vmul.f32 v4, v53  }
0x60: {  	v59 =	vor.u32 $0x23, v1;
	v4 =	vld.idx.msk [tilespmem:v54+s12+$0x0], $0xffff  }
0x61: {  	v60 =	vld.idx.msk [tilespmem:v6+s11+$0x0], $0xffff;
	v2 =	vadd.f32 v3, v2;
	v3 =	vmul.f32 v5, v55  }
0x62: {  	v5 =	vld.idx.msk [tilespmem:v6+s12+$0x0], $0xffff;
	v6 =	vor.u32 $0x24, v1  }
0x63: {  	v61 =	vld.idx.msk [tilespmem:v57+s11+$0x0], $0xffff;
	v2 =	vadd.f32 v3, v2;
	v3 =	vmul.f32 v7, v56  }
0x64: {  	v62 =	vor.u32 $0x25, v1;
	v7 =	vld.idx.msk [tilespmem:v57+s12+$0x0], $0xffff  }
0x65: {  	v63 =	vld.idx.msk [tilespmem:v59+s11+$0x0], $0xffff;
	v2 =	vadd.f32 v3, v2;
	v3 =	vmul.f32 v4, v58  }
0x66: {  	v16 =	vor.u32 $0x26, v1;
	v4 =	vld.idx.msk [tilespmem:v59+s12+$0x0], $0xffff  }
0x67: {  	v17 =	vld.idx.msk [tilespmem:v6+s11+$0x0], $0xffff;
	v2 =	vadd.f32 v3, v2;
	v3 =	vmul.f32 v5, v60  }
0x68: {  	v5 =	vld.idx.msk [tilespmem:v6+s12+$0x0], $0xffff;
	v6 =	vor.u32 $0x27, v1  }
0x69: {  	v18 =	vld.idx.msk [tilespmem:v62+s11+$0x0], $0xffff;
	v2 =	vadd.f32 v3, v2;
	v3 =	vmul.f32 v7, v61  }
0x6a: {  	v19 =	vor.u32 $0x28, v1;
	v7 =	vld.idx.msk [tilespmem:v62+s12+$0x0], $0xffff  }
0x6b: {  	v20 =	vld.idx.msk [tilespmem:v16+s11+$0x0], $0xffff;
	v2 =	vadd.f32 v3, v2;
	v3 =	vmul.f32 v4, v63  }
0x6c: {  	v21 =	vor.u32 $0x29, v1;
	v4 =	vld.idx.msk [tilespmem:v16+s12+$0x0], $0xffff  }
0x6d: {  	v22 =	vld.idx.msk [tilespmem:v6+s11+$0x0], $0xffff;
	v2 =	vadd.f32 v3, v2;
	v3 =	vmul.f32 v5, v17  }
0x6e: {  	v5 =	vld.idx.msk [tilespmem:v6+s12+$0x0], $0xffff;
	v6 =	vor.u32 $0x2A, v1  }
0x6f: {  	v23 =	vld.idx.msk [tilespmem:v19+s11+$0x0], $0xffff;
	v2 =	vadd.f32 v3, v2;
	v3 =	vmul.f32 v7, v18  }
0x70: {  	v24 =	vor.u32 $0x2B, v1;
	v7 =	vld.idx.msk [tilespmem:v19+s12+$0x0], $0xffff  }
0x71: {  	v25 =	vld.idx.msk [tilespmem:v21+s11+$0x0], $0xffff;
	v2 =	vadd.f32 v3, v2;
	v3 =	vmul.f32 v4, v20  }
0x72: {  	v26 =	vor.u32 $0x2C, v1;
	v4 =	vld.idx.msk [tilespmem:v21+s12+$0x0], $0xffff  }
0x73: {  	v27 =	vld.idx.msk [tilespmem:v6+s11+$0x0], $0xffff;
	v2 =	vadd.f32 v3, v2;
	v3 =	vmul.f32 v5, v22  }
0x74: {  	v5 =	vld.idx.msk [tilespmem:v6+s12+$0x0], $0xffff;
	v6 =	vor.u32 $0x2D, v1  }
0x75: {  	v28 =	vld.idx.msk [tilespmem:v24+s11+$0x0], $0xffff;
	v2 =	vadd.f32 v3, v2;
	v3 =	vmul.f32 v7, v23  }
0x76: {  	v29 =	vor.u32 $0x2E, v1;
	v7 =	vld.idx.msk [tilespmem:v24+s12+$0x0], $0xffff  }
0x77: {  	v30 =	vld.idx.msk [tilespmem:v26+s11+$0x0], $0xffff;
	v2 =	vadd.f32 v3, v2;
	v3 =	vmul.f32 v4, v25  }
0x78: {  	v31 =	vor.u32 $0x2F, v1;
	v4 =	vld.idx.msk [tilespmem:v26+s12+$0x0], $0xffff  }
0x79: {  	v32 =	vld.idx.msk [tilespmem:v6+s11+$0x0], $0xffff;
	v2 =	vadd.f32 v3, v2;
	v3 =	vmul.f32 v5, v27  }
0x7a: {  	v5 =	vld.idx.msk [tilespmem:v6+s12+$0x0], $0xffff;
	v6 =	vor.u32 $0x30, v1  }
0x7b: {  	v33 =	vld.idx.msk [tilespmem:v29+s11+$0x0], $0xffff;
	v2 =	vadd.f32 v3, v2;
	v3 =	vmul.f32 v7, v28  }
0x7c: {  	v34 =	vor.u32 $0x31, v1;
	v7 =	vld.idx.msk [tilespmem:v29+s12+$0x0], $0xffff  }
0x7d: {  	v35 =	vld.idx.msk [tilespmem:v31+s11+$0x0], $0xffff;
	v2 =	vadd.f32 v3, v2;
	v3 =	vmul.f32 v4, v30  }
0x7e: {  	v36 =	vor.u32 $0x32, v1;
	v4 =	vld.idx.msk [tilespmem:v31+s12+$0x0], $0xffff  }
0x7f: {  	v37 =	vld.idx.msk [tilespmem:v6+s11+$0x0], $0xffff;
	v2 =	vadd.f32 v3, v2;
	v3 =	vmul.f32 v5, v32  }
0x80: {  	v5 =	vld.idx.msk [tilespmem:v6+s12+$0x0], $0xffff;
	v6 =	vor.u32 $0x33, v1  }
0x81: {  	v38 =	vld.idx.msk [tilespmem:v34+s11+$0x0], $0xffff;
	v2 =	vadd.f32 v3, v2;
	v3 =	vmul.f32 v7, v33  }
0x82: {  	v39 =	vor.u32 $0x34, v1;
	v7 =	vld.idx.msk [tilespmem:v34+s12+$0x0], $0xffff  }
0x83: {  	v40 =	vld.idx.msk [tilespmem:v36+s11+$0x0], $0xffff;
	v2 =	vadd.f32 v3, v2;
	v3 =	vmul.f32 v4, v35  }
0x84: {  	v41 =	vor.u32 $0x35, v1;
	v4 =	vld.idx.msk [tilespmem:v36+s12+$0x0], $0xffff  }
0x85: {  	v42 =	vld.idx.msk [tilespmem:v6+s11+$0x0], $0xffff;
	v2 =	vadd.f32 v3, v2;
	v3 =	vmul.f32 v5, v37  }
0x86: {  	v5 =	vld.idx.msk [tilespmem:v6+s12+$0x0], $0xffff;
	v6 =	vor.u32 $0x36, v1  }
0x87: {  	v43 =	vld.idx.msk [tilespmem:v39+s11+$0x0], $0xffff;
	v2 =	vadd.f32 v3, v2;
	v3 =	vmul.f32 v7, v38  }
0x88: {  	v44 =	vor.u32 $0x37, v1;
	v7 =	vld.idx.msk [tilespmem:v39+s12+$0x0], $0xffff  }
0x89: {  	v45 =	vld.idx.msk [tilespmem:v41+s11+$0x0], $0xffff;
	v2 =	vadd.f32 v3, v2;
	v3 =	vmul.f32 v4, v40  }
0x8a: {  	v46 =	vor.u32 $0x38, v1;
	v4 =	vld.idx.msk [tilespmem:v41+s12+$0x0], $0xffff  }
0x8b: {  	v47 =	vld.idx.msk [tilespmem:v6+s11+$0x0], $0xffff;
	v2 =	vadd.f32 v3, v2;
	v3 =	vmul.f32 v5, v42  }
0x8c: {  	v5 =	vld.idx.msk [tilespmem:v6+s12+$0x0], $0xffff;
	v6 =	vor.u32 $0x39, v1  }
0x8d: {  	v48 =	vld.idx.msk [tilespmem:v44+s11+$0x0], $0xffff;
	v2 =	vadd.f32 v3, v2;
	v3 =	vmul.f32 v7, v43  }
0x8e: {  	v49 =	vor.u32 $0x3A, v1;
	v7 =	vld.idx.msk [tilespmem:v44+s12+$0x0], $0xffff  }
0x8f: {  	v50 =	vld.idx.msk [tilespmem:v46+s11+$0x0], $0xffff;
	v2 =	vadd.f32 v3, v2;
	v3 =	vmul.f32 v4, v45  }
0x90: {  	v51 =	vor.u32 $0x3B, v1;
	v4 =	vld.idx.msk [tilespmem:v46+s12+$0x0], $0xffff  }
0x91: {  	v52 =	vld.idx.msk [tilespmem:v6+s11+$0x0], $0xffff;
	v2 =	vadd.f32 v3, v2;
	v3 =	vmul.f32 v5, v47  }
0x92: {  	v5 =	vld.idx.msk [tilespmem:v6+s12+$0x0], $0xffff;
	v6 =	vor.u32 $0x3C, v1  }
0x93: {  	v53 =	vld.idx.msk [tilespmem:v49+s11+$0x0], $0xffff;
	v2 =	vadd.f32 v3, v2;
	v3 =	vmul.f32 v7, v48  }
0x94: {  	v54 =	vor.u32 $0x3D, v1;
	v7 =	vld.idx.msk [tilespmem:v49+s12+$0x0], $0xffff  }
0x95: {  	v55 =	vld.idx.msk [tilespmem:v51+s11+$0x0], $0xffff;
	v2 =	vadd.f32 v3, v2;
	v3 =	vmul.f32 v4, v50  }
0x96: {  	v56 =	vor.u32 $0x3E, v1;
	v4 =	vld.idx.msk [tilespmem:v51+s12+$0x0], $0xffff  }
0x97: {  	v57 =	vld.idx.msk [tilespmem:v6+s11+$0x0], $0xffff;
	v2 =	vadd.f32 v3, v2;
	v3 =	vmul.f32 v5, v52  }
0x98: {  	v1 =	vor.u32 $0x3F, v1;
	v5 =	vld.idx.msk [tilespmem:v6+s12+$0x0], $0xffff  }
0x99: {  	v6 =	vld.idx.msk [tilespmem:v54+s11+$0x0], $0xffff;
	v2 =	vadd.f32 v3, v2;
	v3 =	vmul.f32 v7, v53  }
0x9a: {  	v7 =	vld.idx.msk [tilespmem:v54+s12+$0x0], $0xffff  }
0x9b: {  	v58 =	vld.idx.msk [tilespmem:v56+s11+$0x0], $0xffff;
	v2 =	vadd.f32 v3, v2;
	v3 =	vmul.f32 v4, v55  }
0x9c: {  	v4 =	vld.idx.msk [tilespmem:v56+s12+$0x0], $0xffff  }
0x9d: {  	v59 =	vld.idx.msk [tilespmem:v1+s11+$0x0], $0xffff;
	v2 =	vadd.f32 v3, v2;
	v3 =	vmul.f32 v5, v57  }
0x9e: {  	v5 =	vld.idx.msk [tilespmem:v1+s12+$0x0], $0xffff  }
0x9f: {  	v1 =	vadd.f32 v3, v2;
	v2 =	vmul.f32 v7, v6  }
0xa0: {  	s17 =	simm.s32 $0x10  }
0xa1: {  	v3 =	vmov s17;
	v4 =	vmul.f32 v4, v58;
	v2 =	vadd.f32 v2, v1  }
0xa2: {  	v1 =	vshll.u32 v3, $0x6  }
0xa3: {  	v1 =	vor.u32 v0, v1;
	v3 =	vmul.f32 v5, v59;
	v2 =	vadd.f32 v4, v2;
	_ =	sdelay $0x1  }
0xa4: {  	v4 =	vor.u32 $0x1, v1;
	v2 =	vadd.f32 v3, v2;
	_ =	sdelay $0x1  }
0xa5: {  	v3 =	vor.u32 $0x2, v1;
	[tilespmem:s15+$0x0] =	vst v2  }
0xa6: {  	v2 =	vld.idx.msk [tilespmem:v1+s12+$0x0], $0xffff  }
0xa7: {  	v6 =	vor.u32 $0x3, v1;
	v5 =	vld.idx.msk [tilespmem:v1+s11+$0x0], $0xffff  }
0xa8: {  	v7 =	vld.idx.msk [tilespmem:v4+s11+$0x0], $0xffff  }
0xa9: {  	v60 =	vor.u32 $0x4, v1;
	v4 =	vld.idx.msk [tilespmem:v4+s12+$0x0], $0xffff  }
0xaa: {  	v61 =	vld.idx.msk [tilespmem:v3+s11+$0x0], $0xffff  }
0xab: {  	v62 =	vor.u32 $0x5, v1;
	v3 =	vld.idx.msk [tilespmem:v3+s12+$0x0], $0xffff  }
0xac: {  	v63 =	vld.idx.msk [tilespmem:v6+s11+$0x0], $0xffff;
	v2 =	vmul.f32 v2, v5  }
0xad: {  	v5 =	vld.idx.msk [tilespmem:v6+s12+$0x0], $0xffff;
	v6 =	vor.u32 $0x6, v1  }
0xae: {  	v16 =	vld.idx.msk [tilespmem:v60+s11+$0x0], $0xffff;
	v4 =	vmul.f32 v4, v7;
	v2 =	vadd.f32 $0.0e+00, v2  }
0xaf: {  	v17 =	vor.u32 $0x7, v1;
	v7 =	vld.idx.msk [tilespmem:v60+s12+$0x0], $0xffff  }
0xb0: {  	v18 =	vld.idx.msk [tilespmem:v62+s11+$0x0], $0xffff;
	v3 =	vmul.f32 v3, v61;
	v2 =	vadd.f32 v4, v2  }
0xb1: {  	v19 =	vor.u32 $0x8, v1;
	v4 =	vld.idx.msk [tilespmem:v62+s12+$0x0], $0xffff  }
0xb2: {  	v20 =	vld.idx.msk [tilespmem:v6+s11+$0x0], $0xffff;
	v2 =	vadd.f32 v3, v2;
	v3 =	vmul.f32 v5, v63  }
0xb3: {  	v5 =	vld.idx.msk [tilespmem:v6+s12+$0x0], $0xffff;
	v6 =	vor.u32 $0x9, v1  }
0xb4: {  	v21 =	vld.idx.msk [tilespmem:v17+s11+$0x0], $0xffff;
	v2 =	vadd.f32 v3, v2;
	v3 =	vmul.f32 v7, v16  }
0xb5: {  	v22 =	vor.u32 $0xA, v1;
	v7 =	vld.idx.msk [tilespmem:v17+s12+$0x0], $0xffff  }
0xb6: {  	v23 =	vld.idx.msk [tilespmem:v19+s11+$0x0], $0xffff;
	v2 =	vadd.f32 v3, v2;
	v3 =	vmul.f32 v4, v18  }
0xb7: {  	v24 =	vor.u32 $0xB, v1;
	v4 =	vld.idx.msk [tilespmem:v19+s12+$0x0], $0xffff  }
0xb8: {  	v25 =	vld.idx.msk [tilespmem:v6+s11+$0x0], $0xffff;
	v2 =	vadd.f32 v3, v2;
	v3 =	vmul.f32 v5, v20  }
0xb9: {  	v5 =	vld.idx.msk [tilespmem:v6+s12+$0x0], $0xffff;
	v6 =	vor.u32 $0xC, v1  }
0xba: {  	v26 =	vld.idx.msk [tilespmem:v22+s11+$0x0], $0xffff;
	v2 =	vadd.f32 v3, v2;
	v3 =	vmul.f32 v7, v21  }
0xbb: {  	v27 =	vor.u32 $0xD, v1;
	v7 =	vld.idx.msk [tilespmem:v22+s12+$0x0], $0xffff  }
0xbc: {  	v28 =	vld.idx.msk [tilespmem:v24+s11+$0x0], $0xffff;
	v2 =	vadd.f32 v3, v2;
	v3 =	vmul.f32 v4, v23  }
0xbd: {  	v29 =	vor.u32 $0xE, v1;
	v4 =	vld.idx.msk [tilespmem:v24+s12+$0x0], $0xffff  }
0xbe: {  	v30 =	vld.idx.msk [tilespmem:v6+s11+$0x0], $0xffff;
	v2 =	vadd.f32 v3, v2;
	v3 =	vmul.f32 v5, v25  }
0xbf: {  	v5 =	vld.idx.msk [tilespmem:v6+s12+$0x0], $0xffff;
	v6 =	vor.u32 $0xF, v1  }
0xc0: {  	v31 =	vld.idx.msk [tilespmem:v27+s11+$0x0], $0xffff;
	v2 =	vadd.f32 v3, v2;
	v3 =	vmul.f32 v7, v26  }
0xc1: {  	v32 =	vor.u32 $0x10, v1;
	v7 =	vld.idx.msk [tilespmem:v27+s12+$0x0], $0xffff  }
0xc2: {  	v33 =	vld.idx.msk [tilespmem:v29+s11+$0x0], $0xffff;
	v2 =	vadd.f32 v3, v2;
	v3 =	vmul.f32 v4, v28  }
0xc3: {  	v34 =	vor.u32 $0x11, v1;
	v4 =	vld.idx.msk [tilespmem:v29+s12+$0x0], $0xffff  }
0xc4: {  	v35 =	vld.idx.msk [tilespmem:v6+s11+$0x0], $0xffff;
	v2 =	vadd.f32 v3, v2;
	v3 =	vmul.f32 v5, v30  }
0xc5: {  	v5 =	vld.idx.msk [tilespmem:v6+s12+$0x0], $0xffff;
	v6 =	vor.u32 $0x12, v1  }
0xc6: {  	v36 =	vld.idx.msk [tilespmem:v32+s11+$0x0], $0xffff;
	v2 =	vadd.f32 v3, v2;
	v3 =	vmul.f32 v7, v31  }
0xc7: {  	v37 =	vor.u32 $0x13, v1;
	v7 =	vld.idx.msk [tilespmem:v32+s12+$0x0], $0xffff  }
0xc8: {  	v38 =	vld.idx.msk [tilespmem:v34+s11+$0x0], $0xffff;
	v2 =	vadd.f32 v3, v2;
	v3 =	vmul.f32 v4, v33  }
0xc9: {  	v39 =	vor.u32 $0x14, v1;
	v4 =	vld.idx.msk [tilespmem:v34+s12+$0x0], $0xffff  }
0xca: {  	v40 =	vld.idx.msk [tilespmem:v6+s11+$0x0], $0xffff;
	v2 =	vadd.f32 v3, v2;
	v3 =	vmul.f32 v5, v35  }
0xcb: {  	v5 =	vld.idx.msk [tilespmem:v6+s12+$0x0], $0xffff;
	v6 =	vor.u32 $0x15, v1  }
0xcc: {  	v41 =	vld.idx.msk [tilespmem:v37+s11+$0x0], $0xffff;
	v2 =	vadd.f32 v3, v2;
	v3 =	vmul.f32 v7, v36  }
0xcd: {  	v42 =	vor.u32 $0x16, v1;
	v7 =	vld.idx.msk [tilespmem:v37+s12+$0x0], $0xffff  }
0xce: {  	v43 =	vld.idx.msk [tilespmem:v39+s11+$0x0], $0xffff;
	v2 =	vadd.f32 v3, v2;
	v3 =	vmul.f32 v4, v38  }
0xcf: {  	v44 =	vor.u32 $0x17, v1;
	v4 =	vld.idx.msk [tilespmem:v39+s12+$0x0], $0xffff  }
0xd0: {  	v45 =	vld.idx.msk [tilespmem:v6+s11+$0x0], $0xffff;
	v2 =	vadd.f32 v3, v2;
	v3 =	vmul.f32 v5, v40  }
0xd1: {  	v5 =	vld.idx.msk [tilespmem:v6+s12+$0x0], $0xffff;
	v6 =	vor.u32 $0x18, v1  }
0xd2: {  	v46 =	vld.idx.msk [tilespmem:v42+s11+$0x0], $0xffff;
	v2 =	vadd.f32 v3, v2;
	v3 =	vmul.f32 v7, v41  }
0xd3: {  	v47 =	vor.u32 $0x19, v1;
	v7 =	vld.idx.msk [tilespmem:v42+s12+$0x0], $0xffff  }
0xd4: {  	v48 =	vld.idx.msk [tilespmem:v44+s11+$0x0], $0xffff;
	v2 =	vadd.f32 v3, v2;
	v3 =	vmul.f32 v4, v43  }
0xd5: {  	v49 =	vor.u32 $0x1A, v1;
	v4 =	vld.idx.msk [tilespmem:v44+s12+$0x0], $0xffff  }
0xd6: {  	v50 =	vld.idx.msk [tilespmem:v6+s11+$0x0], $0xffff;
	v2 =	vadd.f32 v3, v2;
	v3 =	vmul.f32 v5, v45  }
0xd7: {  	v5 =	vld.idx.msk [tilespmem:v6+s12+$0x0], $0xffff;
	v6 =	vor.u32 $0x1B, v1  }
0xd8: {  	v51 =	vld.idx.msk [tilespmem:v47+s11+$0x0], $0xffff;
	v2 =	vadd.f32 v3, v2;
	v3 =	vmul.f32 v7, v46  }
0xd9: {  	v52 =	vor.u32 $0x1C, v1;
	v7 =	vld.idx.msk [tilespmem:v47+s12+$0x0], $0xffff  }
0xda: {  	v53 =	vld.idx.msk [tilespmem:v49+s11+$0x0], $0xffff;
	v2 =	vadd.f32 v3, v2;
	v3 =	vmul.f32 v4, v48  }
0xdb: {  	v54 =	vor.u32 $0x1D, v1;
	v4 =	vld.idx.msk [tilespmem:v49+s12+$0x0], $0xffff  }
0xdc: {  	v55 =	vld.idx.msk [tilespmem:v6+s11+$0x0], $0xffff;
	v2 =	vadd.f32 v3, v2;
	v3 =	vmul.f32 v5, v50  }
0xdd: {  	v5 =	vld.idx.msk [tilespmem:v6+s12+$0x0], $0xffff;
	v6 =	vor.u32 $0x1E, v1  }
0xde: {  	v56 =	vld.idx.msk [tilespmem:v52+s11+$0x0], $0xffff;
	v2 =	vadd.f32 v3, v2;
	v3 =	vmul.f32 v7, v51  }
0xdf: {  	v57 =	vor.u32 $0x1F, v1;
	v7 =	vld.idx.msk [tilespmem:v52+s12+$0x0], $0xffff  }
0xe0: {  	v58 =	vld.idx.msk [tilespmem:v54+s11+$0x0], $0xffff;
	v2 =	vadd.f32 v3, v2;
	v3 =	vmul.f32 v4, v53  }
0xe1: {  	v59 =	vor.u32 $0x20, v1;
	v4 =	vld.idx.msk [tilespmem:v54+s12+$0x0], $0xffff  }
0xe2: {  	v60 =	vld.idx.msk [tilespmem:v6+s11+$0x0], $0xffff;
	v2 =	vadd.f32 v3, v2;
	v3 =	vmul.f32 v5, v55  }
0xe3: {  	v5 =	vld.idx.msk [tilespmem:v6+s12+$0x0], $0xffff;
	v6 =	vor.u32 $0x21, v1  }
0xe4: {  	v61 =	vld.idx.msk [tilespmem:v57+s11+$0x0], $0xffff;
	v2 =	vadd.f32 v3, v2;
	v3 =	vmul.f32 v7, v56  }
0xe5: {  	v62 =	vor.u32 $0x22, v1;
	v7 =	vld.idx.msk [tilespmem:v57+s12+$0x0], $0xffff  }
0xe6: {  	v63 =	vld.idx.msk [tilespmem:v59+s11+$0x0], $0xffff;
	v2 =	vadd.f32 v3, v2;
	v3 =	vmul.f32 v4, v58  }
0xe7: {  	v16 =	vor.u32 $0x23, v1;
	v4 =	vld.idx.msk [tilespmem:v59+s12+$0x0], $0xffff  }
0xe8: {  	v17 =	vld.idx.msk [tilespmem:v6+s11+$0x0], $0xffff;
	v2 =	vadd.f32 v3, v2;
	v3 =	vmul.f32 v5, v60  }
0xe9: {  	v5 =	vld.idx.msk [tilespmem:v6+s12+$0x0], $0xffff;
	v6 =	vor.u32 $0x24, v1  }
0xea: {  	v18 =	vld.idx.msk [tilespmem:v62+s11+$0x0], $0xffff;
	v2 =	vadd.f32 v3, v2;
	v3 =	vmul.f32 v7, v61  }
0xeb: {  	v19 =	vor.u32 $0x25, v1;
	v7 =	vld.idx.msk [tilespmem:v62+s12+$0x0], $0xffff  }
0xec: {  	v20 =	vld.idx.msk [tilespmem:v16+s11+$0x0], $0xffff;
	v2 =	vadd.f32 v3, v2;
	v3 =	vmul.f32 v4, v63  }
0xed: {  	v21 =	vor.u32 $0x26, v1;
	v4 =	vld.idx.msk [tilespmem:v16+s12+$0x0], $0xffff  }
0xee: {  	v22 =	vld.idx.msk [tilespmem:v6+s11+$0x0], $0xffff;
	v2 =	vadd.f32 v3, v2;
	v3 =	vmul.f32 v5, v17  }
0xef: {  	v5 =	vld.idx.msk [tilespmem:v6+s12+$0x0], $0xffff;
	v6 =	vor.u32 $0x27, v1  }
0xf0: {  	v23 =	vld.idx.msk [tilespmem:v19+s11+$0x0], $0xffff;
	v2 =	vadd.f32 v3, v2;
	v3 =	vmul.f32 v7, v18  }
0xf1: {  	v24 =	vor.u32 $0x28, v1;
	v7 =	vld.idx.msk [tilespmem:v19+s12+$0x0], $0xffff  }
0xf2: {  	v25 =	vld.idx.msk [tilespmem:v21+s11+$0x0], $0xffff;
	v2 =	vadd.f32 v3, v2;
	v3 =	vmul.f32 v4, v20  }
0xf3: {  	v26 =	vor.u32 $0x29, v1;
	v4 =	vld.idx.msk [tilespmem:v21+s12+$0x0], $0xffff  }
0xf4: {  	v27 =	vld.idx.msk [tilespmem:v6+s11+$0x0], $0xffff;
	v2 =	vadd.f32 v3, v2;
	v3 =	vmul.f32 v5, v22  }
0xf5: {  	v5 =	vld.idx.msk [tilespmem:v6+s12+$0x0], $0xffff;
	v6 =	vor.u32 $0x2A, v1  }
0xf6: {  	v28 =	vld.idx.msk [tilespmem:v24+s11+$0x0], $0xffff;
	v2 =	vadd.f32 v3, v2;
	v3 =	vmul.f32 v7, v23  }
0xf7: {  	v29 =	vor.u32 $0x2B, v1;
	v7 =	vld.idx.msk [tilespmem:v24+s12+$0x0], $0xffff  }
0xf8: {  	v30 =	vld.idx.msk [tilespmem:v26+s11+$0x0], $0xffff;
	v2 =	vadd.f32 v3, v2;
	v3 =	vmul.f32 v4, v25  }
0xf9: {  	v31 =	vor.u32 $0x2C, v1;
	v4 =	vld.idx.msk [tilespmem:v26+s12+$0x0], $0xffff  }
0xfa: {  	v32 =	vld.idx.msk [tilespmem:v6+s11+$0x0], $0xffff;
	v2 =	vadd.f32 v3, v2;
	v3 =	vmul.f32 v5, v27  }
0xfb: {  	v5 =	vld.idx.msk [tilespmem:v6+s12+$0x0], $0xffff;
	v6 =	vor.u32 $0x2D, v1  }
0xfc: {  	v33 =	vld.idx.msk [tilespmem:v29+s11+$0x0], $0xffff;
	v2 =	vadd.f32 v3, v2;
	v3 =	vmul.f32 v7, v28  }
0xfd: {  	v34 =	vor.u32 $0x2E, v1;
	v7 =	vld.idx.msk [tilespmem:v29+s12+$0x0], $0xffff  }
0xfe: {  	v35 =	vld.idx.msk [tilespmem:v31+s11+$0x0], $0xffff;
	v2 =	vadd.f32 v3, v2;
	v3 =	vmul.f32 v4, v30  }
0xff: {  	v36 =	vor.u32 $0x2F, v1;
	v4 =	vld.idx.msk [tilespmem:v31+s12+$0x0], $0xffff  }
0x100: {  	v37 =	vld.idx.msk [tilespmem:v6+s11+$0x0], $0xffff;
	v2 =	vadd.f32 v3, v2;
	v3 =	vmul.f32 v5, v32  }
0x101: {  	v5 =	vld.idx.msk [tilespmem:v6+s12+$0x0], $0xffff;
	v6 =	vor.u32 $0x30, v1  }
0x102: {  	v38 =	vld.idx.msk [tilespmem:v34+s11+$0x0], $0xffff;
	v2 =	vadd.f32 v3, v2;
	v3 =	vmul.f32 v7, v33  }
0x103: {  	v39 =	vor.u32 $0x31, v1;
	v7 =	vld.idx.msk [tilespmem:v34+s12+$0x0], $0xffff  }
0x104: {  	v40 =	vld.idx.msk [tilespmem:v36+s11+$0x0], $0xffff;
	v2 =	vadd.f32 v3, v2;
	v3 =	vmul.f32 v4, v35  }
0x105: {  	v41 =	vor.u32 $0x32, v1;
	v4 =	vld.idx.msk [tilespmem:v36+s12+$0x0], $0xffff  }
0x106: {  	v42 =	vld.idx.msk [tilespmem:v6+s11+$0x0], $0xffff;
	v2 =	vadd.f32 v3, v2;
	v3 =	vmul.f32 v5, v37  }
0x107: {  	v5 =	vld.idx.msk [tilespmem:v6+s12+$0x0], $0xffff;
	v6 =	vor.u32 $0x33, v1  }
0x108: {  	v43 =	vld.idx.msk [tilespmem:v39+s11+$0x0], $0xffff;
	v2 =	vadd.f32 v3, v2;
	v3 =	vmul.f32 v7, v38  }
0x109: {  	v44 =	vor.u32 $0x34, v1;
	v7 =	vld.idx.msk [tilespmem:v39+s12+$0x0], $0xffff  }
0x10a: {  	v45 =	vld.idx.msk [tilespmem:v41+s11+$0x0], $0xffff;
	v2 =	vadd.f32 v3, v2;
	v3 =	vmul.f32 v4, v40  }
0x10b: {  	v46 =	vor.u32 $0x35, v1;
	v4 =	vld.idx.msk [tilespmem:v41+s12+$0x0], $0xffff  }
0x10c: {  	v47 =	vld.idx.msk [tilespmem:v6+s11+$0x0], $0xffff;
	v2 =	vadd.f32 v3, v2;
	v3 =	vmul.f32 v5, v42  }
0x10d: {  	v5 =	vld.idx.msk [tilespmem:v6+s12+$0x0], $0xffff;
	v6 =	vor.u32 $0x36, v1  }
0x10e: {  	v48 =	vld.idx.msk [tilespmem:v44+s11+$0x0], $0xffff;
	v2 =	vadd.f32 v3, v2;
	v3 =	vmul.f32 v7, v43  }
0x10f: {  	v49 =	vor.u32 $0x37, v1;
	v7 =	vld.idx.msk [tilespmem:v44+s12+$0x0], $0xffff  }
0x110: {  	v50 =	vld.idx.msk [tilespmem:v46+s11+$0x0], $0xffff;
	v2 =	vadd.f32 v3, v2;
	v3 =	vmul.f32 v4, v45  }
0x111: {  	v51 =	vor.u32 $0x38, v1;
	v4 =	vld.idx.msk [tilespmem:v46+s12+$0x0], $0xffff  }
0x112: {  	v52 =	vld.idx.msk [tilespmem:v6+s11+$0x0], $0xffff;
	v2 =	vadd.f32 v3, v2;
	v3 =	vmul.f32 v5, v47  }
0x113: {  	v5 =	vld.idx.msk [tilespmem:v6+s12+$0x0], $0xffff;
	v6 =	vor.u32 $0x39, v1  }
0x114: {  	v53 =	vld.idx.msk [tilespmem:v49+s11+$0x0], $0xffff;
	v2 =	vadd.f32 v3, v2;
	v3 =	vmul.f32 v7, v48  }
0x115: {  	v54 =	vor.u32 $0x3A, v1;
	v7 =	vld.idx.msk [tilespmem:v49+s12+$0x0], $0xffff  }
0x116: {  	v55 =	vld.idx.msk [tilespmem:v51+s11+$0x0], $0xffff;
	v2 =	vadd.f32 v3, v2;
	v3 =	vmul.f32 v4, v50  }
0x117: {  	v56 =	vor.u32 $0x3B, v1;
	v4 =	vld.idx.msk [tilespmem:v51+s12+$0x0], $0xffff  }
0x118: {  	v57 =	vld.idx.msk [tilespmem:v6+s11+$0x0], $0xffff;
	v2 =	vadd.f32 v3, v2;
	v3 =	vmul.f32 v5, v52  }
0x119: {  	v5 =	vld.idx.msk [tilespmem:v6+s12+$0x0], $0xffff;
	v6 =	vor.u32 $0x3C, v1  }
0x11a: {  	v58 =	vld.idx.msk [tilespmem:v54+s11+$0x0], $0xffff;
	v2 =	vadd.f32 v3, v2;
	v3 =	vmul.f32 v7, v53  }
0x11b: {  	v7 =	vld.idx.msk [tilespmem:v54+s12+$0x0], $0xffff  }
0x11c: {  	v60 =	vld.idx.msk [tilespmem:v56+s11+$0x0], $0xffff;
	v2 =	vadd.f32 v3, v2;
	v3 =	vmul.f32 v4, v55  }
0x11d: {  	v59 =	vor.u32 $0x3D, v1;
	v4 =	vld.idx.msk [tilespmem:v56+s12+$0x0], $0xffff  }
0x11e: {  	v62 =	vld.idx.msk [tilespmem:v6+s11+$0x0], $0xffff;
	v2 =	vadd.f32 v3, v2;
	v3 =	vmul.f32 v5, v57  }
0x11f: {  	v61 =	vor.u32 $0x3E, v1;
	v5 =	vld.idx.msk [tilespmem:v6+s12+$0x0], $0xffff  }
0x120: {  	v2 =	vadd.f32 v3, v2;
	v3 =	vmul.f32 v7, v58  }
0x121: {  	v1 =	vor.u32 $0x3F, v1  }
0x122: {  	v6 =	vld.idx.msk [tilespmem:v59+s11+$0x0], $0xffff;
	v2 =	vadd.f32 v3, v2;
	v3 =	vmul.f32 v4, v60  }
0x123: {  	v7 =	vld.idx.msk [tilespmem:v59+s12+$0x0], $0xffff  }
0x124: {  	v63 =	vld.idx.msk [tilespmem:v61+s11+$0x0], $0xffff;
	v2 =	vadd.f32 v3, v2;
	v3 =	vmul.f32 v5, v62  }
0x125: {  	v9 =	vld.idx.msk [tilespmem:v61+s12+$0x0], $0xffff  }
0x126: {  	v4 =	vadd.f32 v3, v2;
	v2 =	vld.idx.msk [tilespmem:v1+s11+$0x0], $0xffff  }
0x127: {  	v3 =	vld.idx.msk [tilespmem:v1+s12+$0x0], $0xffff  }
0x128: {  	v5 =	vmul.f32 v7, v6  }
0x129: {  	s31 =	simm.s32 $0x20  }
0x12a: {  	v6 =	vmov s31;
	v4 =	vadd.f32 v5, v4;
	v5 =	vmul.f32 v9, v63  }
0x12b: {  	s18 =	simm.s32 $0x30;
	s17 =	simm.s32 $0x10400;
	v1 =	vshll.u32 v6, $0x6  }
.LBB2_2:
0x12c: {  	p0 =	sne.s32 s18, $0x1F0;
	v1 =	vor.u32 v0, v1;
	v4 =	vadd.f32 v5, v4;
	v2 =	vmul.f32 v3, v2;
	_ =	sdelay $0x1  }
0x12d: {  	v3 =	vor.u32 $0x1, v1;
	v2 =	vadd.f32 v2, v4  }
0x12e: {  	s17 =	sadd.s32 $0x10, s17  }
0x12f: {  	v4 =	vor.u32 $0x2, v1;
	[tilespmem:s17+$0x0] =	vst v2  }
0x130: {  	v2 =	vld.idx.msk [tilespmem:v1+s12+$0x0], $0xffff  }
0x131: {  	v6 =	vor.u32 $0x3, v1;
	v5 =	vld.idx.msk [tilespmem:v1+s11+$0x0], $0xffff  }
0x132: {  	v7 =	vld.idx.msk [tilespmem:v3+s11+$0x0], $0xffff  }
0x133: {  	v8 =	vor.u32 $0x4, v1;
	v3 =	vld.idx.msk [tilespmem:v3+s12+$0x0], $0xffff  }
0x134: {  	v9 =	vld.idx.msk [tilespmem:v4+s11+$0x0], $0xffff  }
0x135: {  	v10 =	vor.u32 $0x5, v1;
	v4 =	vld.idx.msk [tilespmem:v4+s12+$0x0], $0xffff  }
0x136: {  	v11 =	vld.idx.msk [tilespmem:v6+s11+$0x0], $0xffff  }
0x137: {  	v2 =	vmul.f32 v2, v5;
	v5 =	vld.idx.msk [tilespmem:v6+s12+$0x0], $0xffff;
	v6 =	vor.u32 $0x6, v1  }
0x138: {  	v12 =	vld.idx.msk [tilespmem:v8+s11+$0x0], $0xffff  }
0x139: {  	v2 =	vadd.f32 $0.0e+00, v2;
	v3 =	vmul.f32 v3, v7;
	v7 =	vld.idx.msk [tilespmem:v8+s12+$0x0], $0xffff;
	v8 =	vor.u32 $0x7, v1  }
0x13a: {  	v13 =	vld.idx.msk [tilespmem:v10+s11+$0x0], $0xffff  }
0x13b: {  	v2 =	vadd.f32 v3, v2;
	v3 =	vmul.f32 v4, v9;
	v9 =	vor.u32 $0x8, v1;
	v4 =	vld.idx.msk [tilespmem:v10+s12+$0x0], $0xffff  }
0x13c: {  	v10 =	vld.idx.msk [tilespmem:v6+s11+$0x0], $0xffff  }
0x13d: {  	v2 =	vadd.f32 v3, v2;
	v3 =	vmul.f32 v5, v11;
	v5 =	vld.idx.msk [tilespmem:v6+s12+$0x0], $0xffff;
	v6 =	vor.u32 $0x9, v1  }
0x13e: {  	v11 =	vld.idx.msk [tilespmem:v8+s11+$0x0], $0xffff  }
0x13f: {  	v2 =	vadd.f32 v3, v2;
	v3 =	vmul.f32 v7, v12;
	v7 =	vld.idx.msk [tilespmem:v8+s12+$0x0], $0xffff;
	v8 =	vor.u32 $0xA, v1  }
0x140: {  	v12 =	vld.idx.msk [tilespmem:v9+s11+$0x0], $0xffff  }
0x141: {  	v2 =	vadd.f32 v3, v2;
	v3 =	vmul.f32 v4, v13;
	v4 =	vld.idx.msk [tilespmem:v9+s12+$0x0], $0xffff;
	v9 =	vor.u32 $0xB, v1  }
0x142: {  	v13 =	vld.idx.msk [tilespmem:v6+s11+$0x0], $0xffff  }
0x143: {  	v2 =	vadd.f32 v3, v2;
	v3 =	vmul.f32 v5, v10;
	v5 =	vld.idx.msk [tilespmem:v6+s12+$0x0], $0xffff;
	v6 =	vor.u32 $0xC, v1  }
0x144: {  	v10 =	vld.idx.msk [tilespmem:v8+s11+$0x0], $0xffff  }
0x145: {  	v2 =	vadd.f32 v3, v2;
	v3 =	vmul.f32 v7, v11;
	v7 =	vld.idx.msk [tilespmem:v8+s12+$0x0], $0xffff;
	v8 =	vor.u32 $0xD, v1  }
0x146: {  	v11 =	vld.idx.msk [tilespmem:v9+s11+$0x0], $0xffff  }
0x147: {  	v2 =	vadd.f32 v3, v2;
	v3 =	vmul.f32 v4, v12;
	v4 =	vld.idx.msk [tilespmem:v9+s12+$0x0], $0xffff;
	v9 =	vor.u32 $0xE, v1  }
0x148: {  	v12 =	vld.idx.msk [tilespmem:v6+s11+$0x0], $0xffff  }
0x149: {  	v2 =	vadd.f32 v3, v2;
	v3 =	vmul.f32 v5, v13;
	v5 =	vld.idx.msk [tilespmem:v6+s12+$0x0], $0xffff;
	v6 =	vor.u32 $0xF, v1  }
0x14a: {  	v13 =	vld.idx.msk [tilespmem:v8+s11+$0x0], $0xffff  }
0x14b: {  	v2 =	vadd.f32 v3, v2;
	v3 =	vmul.f32 v7, v10;
	v7 =	vld.idx.msk [tilespmem:v8+s12+$0x0], $0xffff;
	v8 =	vor.u32 $0x10, v1  }
0x14c: {  	v10 =	vld.idx.msk [tilespmem:v9+s11+$0x0], $0xffff  }
0x14d: {  	v2 =	vadd.f32 v3, v2;
	v3 =	vmul.f32 v4, v11;
	v4 =	vld.idx.msk [tilespmem:v9+s12+$0x0], $0xffff;
	v9 =	vor.u32 $0x11, v1  }
0x14e: {  	v11 =	vld.idx.msk [tilespmem:v6+s11+$0x0], $0xffff  }
0x14f: {  	v2 =	vadd.f32 v3, v2;
	v3 =	vmul.f32 v5, v12;
	v5 =	vld.idx.msk [tilespmem:v6+s12+$0x0], $0xffff;
	v6 =	vor.u32 $0x12, v1  }
0x150: {  	v12 =	vld.idx.msk [tilespmem:v8+s11+$0x0], $0xffff  }
0x151: {  	v2 =	vadd.f32 v3, v2;
	v3 =	vmul.f32 v7, v13;
	v7 =	vld.idx.msk [tilespmem:v8+s12+$0x0], $0xffff;
	v8 =	vor.u32 $0x13, v1  }
0x152: {  	v13 =	vld.idx.msk [tilespmem:v9+s11+$0x0], $0xffff  }
0x153: {  	v2 =	vadd.f32 v3, v2;
	v3 =	vmul.f32 v4, v10;
	v4 =	vld.idx.msk [tilespmem:v9+s12+$0x0], $0xffff;
	v9 =	vor.u32 $0x14, v1  }
0x154: {  	v10 =	vld.idx.msk [tilespmem:v6+s11+$0x0], $0xffff  }
0x155: {  	v2 =	vadd.f32 v3, v2;
	v3 =	vmul.f32 v5, v11;
	v5 =	vld.idx.msk [tilespmem:v6+s12+$0x0], $0xffff;
	v6 =	vor.u32 $0x15, v1  }
0x156: {  	v11 =	vld.idx.msk [tilespmem:v8+s11+$0x0], $0xffff  }
0x157: {  	v2 =	vadd.f32 v3, v2;
	v3 =	vmul.f32 v7, v12;
	v7 =	vld.idx.msk [tilespmem:v8+s12+$0x0], $0xffff;
	v8 =	vor.u32 $0x16, v1  }
0x158: {  	v12 =	vld.idx.msk [tilespmem:v9+s11+$0x0], $0xffff  }
0x159: {  	v2 =	vadd.f32 v3, v2;
	v3 =	vmul.f32 v4, v13;
	v4 =	vld.idx.msk [tilespmem:v9+s12+$0x0], $0xffff;
	v9 =	vor.u32 $0x17, v1  }
0x15a: {  	v13 =	vld.idx.msk [tilespmem:v6+s11+$0x0], $0xffff  }
0x15b: {  	v2 =	vadd.f32 v3, v2;
	v3 =	vmul.f32 v5, v10;
	v5 =	vld.idx.msk [tilespmem:v6+s12+$0x0], $0xffff;
	v6 =	vor.u32 $0x18, v1  }
0x15c: {  	v10 =	vld.idx.msk [tilespmem:v8+s11+$0x0], $0xffff  }
0x15d: {  	v2 =	vadd.f32 v3, v2;
	v3 =	vmul.f32 v7, v11;
	v7 =	vld.idx.msk [tilespmem:v8+s12+$0x0], $0xffff;
	v8 =	vor.u32 $0x19, v1  }
0x15e: {  	v11 =	vld.idx.msk [tilespmem:v9+s11+$0x0], $0xffff  }
0x15f: {  	v2 =	vadd.f32 v3, v2;
	v3 =	vmul.f32 v4, v12;
	v4 =	vld.idx.msk [tilespmem:v9+s12+$0x0], $0xffff;
	v9 =	vor.u32 $0x1A, v1  }
0x160: {  	v12 =	vld.idx.msk [tilespmem:v6+s11+$0x0], $0xffff  }
0x161: {  	v2 =	vadd.f32 v3, v2;
	v3 =	vmul.f32 v5, v13;
	v5 =	vld.idx.msk [tilespmem:v6+s12+$0x0], $0xffff;
	v6 =	vor.u32 $0x1B, v1  }
0x162: {  	v13 =	vld.idx.msk [tilespmem:v8+s11+$0x0], $0xffff  }
0x163: {  	v2 =	vadd.f32 v3, v2;
	v3 =	vmul.f32 v7, v10;
	v7 =	vld.idx.msk [tilespmem:v8+s12+$0x0], $0xffff;
	v8 =	vor.u32 $0x1C, v1  }
0x164: {  	v10 =	vld.idx.msk [tilespmem:v9+s11+$0x0], $0xffff  }
0x165: {  	v2 =	vadd.f32 v3, v2;
	v3 =	vmul.f32 v4, v11;
	v4 =	vld.idx.msk [tilespmem:v9+s12+$0x0], $0xffff;
	v9 =	vor.u32 $0x1D, v1  }
0x166: {  	v11 =	vld.idx.msk [tilespmem:v6+s11+$0x0], $0xffff  }
0x167: {  	v2 =	vadd.f32 v3, v2;
	v3 =	vmul.f32 v5, v12;
	v5 =	vld.idx.msk [tilespmem:v6+s12+$0x0], $0xffff;
	v6 =	vor.u32 $0x1E, v1  }
0x168: {  	v12 =	vld.idx.msk [tilespmem:v8+s11+$0x0], $0xffff  }
0x169: {  	v2 =	vadd.f32 v3, v2;
	v3 =	vmul.f32 v7, v13;
	v7 =	vld.idx.msk [tilespmem:v8+s12+$0x0], $0xffff;
	v8 =	vor.u32 $0x1F, v1  }
0x16a: {  	v13 =	vld.idx.msk [tilespmem:v9+s11+$0x0], $0xffff  }
0x16b: {  	v2 =	vadd.f32 v3, v2;
	v3 =	vmul.f32 v4, v10;
	v4 =	vld.idx.msk [tilespmem:v9+s12+$0x0], $0xffff;
	v9 =	vor.u32 $0x20, v1  }
0x16c: {  	v10 =	vld.idx.msk [tilespmem:v6+s11+$0x0], $0xffff  }
0x16d: {  	v2 =	vadd.f32 v3, v2;
	v3 =	vmul.f32 v5, v11;
	v5 =	vld.idx.msk [tilespmem:v6+s12+$0x0], $0xffff;
	v6 =	vor.u32 $0x21, v1  }
0x16e: {  	v11 =	vld.idx.msk [tilespmem:v8+s11+$0x0], $0xffff  }
0x16f: {  	v2 =	vadd.f32 v3, v2;
	v3 =	vmul.f32 v7, v12;
	v7 =	vld.idx.msk [tilespmem:v8+s12+$0x0], $0xffff;
	v8 =	vor.u32 $0x22, v1  }
0x170: {  	v12 =	vld.idx.msk [tilespmem:v9+s11+$0x0], $0xffff  }
0x171: {  	v2 =	vadd.f32 v3, v2;
	v3 =	vmul.f32 v4, v13;
	v4 =	vld.idx.msk [tilespmem:v9+s12+$0x0], $0xffff;
	v9 =	vor.u32 $0x23, v1  }
0x172: {  	v13 =	vld.idx.msk [tilespmem:v6+s11+$0x0], $0xffff  }
0x173: {  	v2 =	vadd.f32 v3, v2;
	v3 =	vmul.f32 v5, v10;
	v5 =	vld.idx.msk [tilespmem:v6+s12+$0x0], $0xffff;
	v6 =	vor.u32 $0x24, v1  }
0x174: {  	v10 =	vld.idx.msk [tilespmem:v8+s11+$0x0], $0xffff  }
0x175: {  	v2 =	vadd.f32 v3, v2;
	v3 =	vmul.f32 v7, v11;
	v7 =	vld.idx.msk [tilespmem:v8+s12+$0x0], $0xffff;
	v8 =	vor.u32 $0x25, v1  }
0x176: {  	v11 =	vld.idx.msk [tilespmem:v9+s11+$0x0], $0xffff  }
0x177: {  	v2 =	vadd.f32 v3, v2;
	v3 =	vmul.f32 v4, v12;
	v4 =	vld.idx.msk [tilespmem:v9+s12+$0x0], $0xffff;
	v9 =	vor.u32 $0x26, v1  }
0x178: {  	v12 =	vld.idx.msk [tilespmem:v6+s11+$0x0], $0xffff  }
0x179: {  	v2 =	vadd.f32 v3, v2;
	v3 =	vmul.f32 v5, v13;
	v5 =	vld.idx.msk [tilespmem:v6+s12+$0x0], $0xffff;
	v6 =	vor.u32 $0x27, v1  }
0x17a: {  	v13 =	vld.idx.msk [tilespmem:v8+s11+$0x0], $0xffff  }
0x17b: {  	v2 =	vadd.f32 v3, v2;
	v3 =	vmul.f32 v7, v10;
	v7 =	vld.idx.msk [tilespmem:v8+s12+$0x0], $0xffff;
	v8 =	vor.u32 $0x28, v1  }
0x17c: {  	v10 =	vld.idx.msk [tilespmem:v9+s11+$0x0], $0xffff  }
0x17d: {  	v2 =	vadd.f32 v3, v2;
	v3 =	vmul.f32 v4, v11;
	v4 =	vld.idx.msk [tilespmem:v9+s12+$0x0], $0xffff;
	v9 =	vor.u32 $0x29, v1  }
0x17e: {  	v11 =	vld.idx.msk [tilespmem:v6+s11+$0x0], $0xffff  }
0x17f: {  	v2 =	vadd.f32 v3, v2;
	v3 =	vmul.f32 v5, v12;
	v5 =	vld.idx.msk [tilespmem:v6+s12+$0x0], $0xffff;
	v6 =	vor.u32 $0x2A, v1  }
0x180: {  	v12 =	vld.idx.msk [tilespmem:v8+s11+$0x0], $0xffff  }
0x181: {  	v2 =	vadd.f32 v3, v2;
	v3 =	vmul.f32 v7, v13;
	v7 =	vld.idx.msk [tilespmem:v8+s12+$0x0], $0xffff;
	v8 =	vor.u32 $0x2B, v1  }
0x182: {  	v13 =	vld.idx.msk [tilespmem:v9+s11+$0x0], $0xffff  }
0x183: {  	v2 =	vadd.f32 v3, v2;
	v3 =	vmul.f32 v4, v10;
	v4 =	vld.idx.msk [tilespmem:v9+s12+$0x0], $0xffff;
	v9 =	vor.u32 $0x2C, v1  }
0x184: {  	v10 =	vld.idx.msk [tilespmem:v6+s11+$0x0], $0xffff  }
0x185: {  	v2 =	vadd.f32 v3, v2;
	v3 =	vmul.f32 v5, v11;
	v5 =	vld.idx.msk [tilespmem:v6+s12+$0x0], $0xffff;
	v6 =	vor.u32 $0x2D, v1  }
0x186: {  	v11 =	vld.idx.msk [tilespmem:v8+s11+$0x0], $0xffff  }
0x187: {  	v2 =	vadd.f32 v3, v2;
	v3 =	vmul.f32 v7, v12;
	v7 =	vld.idx.msk [tilespmem:v8+s12+$0x0], $0xffff;
	v8 =	vor.u32 $0x2E, v1  }
0x188: {  	v12 =	vld.idx.msk [tilespmem:v9+s11+$0x0], $0xffff  }
0x189: {  	v2 =	vadd.f32 v3, v2;
	v3 =	vmul.f32 v4, v13;
	v4 =	vld.idx.msk [tilespmem:v9+s12+$0x0], $0xffff;
	v9 =	vor.u32 $0x2F, v1  }
0x18a: {  	v13 =	vld.idx.msk [tilespmem:v6+s11+$0x0], $0xffff  }
0x18b: {  	v2 =	vadd.f32 v3, v2;
	v3 =	vmul.f32 v5, v10;
	v5 =	vld.idx.msk [tilespmem:v6+s12+$0x0], $0xffff;
	v6 =	vor.u32 $0x30, v1  }
0x18c: {  	v10 =	vld.idx.msk [tilespmem:v8+s11+$0x0], $0xffff  }
0x18d: {  	v2 =	vadd.f32 v3, v2;
	v3 =	vmul.f32 v7, v11;
	v7 =	vld.idx.msk [tilespmem:v8+s12+$0x0], $0xffff;
	v8 =	vor.u32 $0x31, v1  }
0x18e: {  	v11 =	vld.idx.msk [tilespmem:v9+s11+$0x0], $0xffff  }
0x18f: {  	v2 =	vadd.f32 v3, v2;
	v3 =	vmul.f32 v4, v12;
	v4 =	vld.idx.msk [tilespmem:v9+s12+$0x0], $0xffff;
	v9 =	vor.u32 $0x32, v1  }
0x190: {  	v12 =	vld.idx.msk [tilespmem:v6+s11+$0x0], $0xffff  }
0x191: {  	v2 =	vadd.f32 v3, v2;
	v3 =	vmul.f32 v5, v13;
	v5 =	vld.idx.msk [tilespmem:v6+s12+$0x0], $0xffff;
	v6 =	vor.u32 $0x33, v1  }
0x192: {  	v13 =	vld.idx.msk [tilespmem:v8+s11+$0x0], $0xffff  }
0x193: {  	v2 =	vadd.f32 v3, v2;
	v3 =	vmul.f32 v7, v10;
	v7 =	vld.idx.msk [tilespmem:v8+s12+$0x0], $0xffff;
	v8 =	vor.u32 $0x34, v1  }
0x194: {  	v10 =	vld.idx.msk [tilespmem:v9+s11+$0x0], $0xffff  }
0x195: {  	v2 =	vadd.f32 v3, v2;
	v3 =	vmul.f32 v4, v11;
	v4 =	vld.idx.msk [tilespmem:v9+s12+$0x0], $0xffff;
	v9 =	vor.u32 $0x35, v1  }
0x196: {  	v11 =	vld.idx.msk [tilespmem:v6+s11+$0x0], $0xffff  }
0x197: {  	v2 =	vadd.f32 v3, v2;
	v3 =	vmul.f32 v5, v12;
	v5 =	vld.idx.msk [tilespmem:v6+s12+$0x0], $0xffff;
	v6 =	vor.u32 $0x36, v1  }
0x198: {  	v12 =	vld.idx.msk [tilespmem:v8+s11+$0x0], $0xffff  }
0x199: {  	v2 =	vadd.f32 v3, v2;
	v3 =	vmul.f32 v7, v13;
	v7 =	vld.idx.msk [tilespmem:v8+s12+$0x0], $0xffff;
	v8 =	vor.u32 $0x37, v1  }
0x19a: {  	v13 =	vld.idx.msk [tilespmem:v9+s11+$0x0], $0xffff  }
0x19b: {  	v2 =	vadd.f32 v3, v2;
	v3 =	vmul.f32 v4, v10;
	v4 =	vld.idx.msk [tilespmem:v9+s12+$0x0], $0xffff;
	v9 =	vor.u32 $0x38, v1  }
0x19c: {  	v10 =	vld.idx.msk [tilespmem:v6+s11+$0x0], $0xffff  }
0x19d: {  	v2 =	vadd.f32 v3, v2;
	v3 =	vmul.f32 v5, v11;
	v5 =	vld.idx.msk [tilespmem:v6+s12+$0x0], $0xffff;
	v6 =	vor.u32 $0x39, v1  }
0x19e: {  	v11 =	vld.idx.msk [tilespmem:v8+s11+$0x0], $0xffff  }
0x19f: {  	v2 =	vadd.f32 v3, v2;
	v3 =	vmul.f32 v7, v12;
	v7 =	vld.idx.msk [tilespmem:v8+s12+$0x0], $0xffff;
	v8 =	vor.u32 $0x3A, v1  }
0x1a0: {  	v12 =	vld.idx.msk [tilespmem:v9+s11+$0x0], $0xffff  }
0x1a1: {  	v2 =	vadd.f32 v3, v2;
	v3 =	vmul.f32 v4, v13;
	v4 =	vld.idx.msk [tilespmem:v9+s12+$0x0], $0xffff;
	v9 =	vor.u32 $0x3B, v1  }
0x1a2: {  	v13 =	vld.idx.msk [tilespmem:v6+s11+$0x0], $0xffff  }
0x1a3: {  	v2 =	vadd.f32 v3, v2;
	v3 =	vmul.f32 v5, v10;
	v5 =	vld.idx.msk [tilespmem:v6+s12+$0x0], $0xffff;
	v6 =	vor.u32 $0x3C, v1  }
0x1a4: {  	v10 =	vld.idx.msk [tilespmem:v8+s11+$0x0], $0xffff  }
0x1a5: {  	v2 =	vadd.f32 v3, v2;
	v3 =	vmul.f32 v7, v11;
	v7 =	vld.idx.msk [tilespmem:v8+s12+$0x0], $0xffff;
	v8 =	vor.u32 $0x3D, v1  }
0x1a6: {  	v11 =	vld.idx.msk [tilespmem:v9+s11+$0x0], $0xffff  }
0x1a7: {  	v2 =	vadd.f32 v3, v2;
	v3 =	vmul.f32 v4, v12;
	v4 =	vld.idx.msk [tilespmem:v9+s12+$0x0], $0xffff;
	v9 =	vor.u32 $0x3E, v1  }
0x1a8: {  	v12 =	vld.idx.msk [tilespmem:v6+s11+$0x0], $0xffff  }
0x1a9: {  	v1 =	vor.u32 $0x3F, v1;
	v2 =	vadd.f32 v3, v2;
	v3 =	vmul.f32 v5, v13;
	v5 =	vld.idx.msk [tilespmem:v6+s12+$0x0], $0xffff  }
0x1aa: {  	v6 =	vld.idx.msk [tilespmem:v8+s11+$0x0], $0xffff  }
0x1ab: {  	v2 =	vadd.f32 v3, v2;
	v3 =	vmul.f32 v7, v10;
	v7 =	vld.idx.msk [tilespmem:v8+s12+$0x0], $0xffff  }
0x1ac: {  	v8 =	vld.idx.msk [tilespmem:v9+s11+$0x0], $0xffff  }
0x1ad: {  	v3 =	vadd.f32 v3, v2;
	v4 =	vmul.f32 v4, v11;
	v9 =	vld.idx.msk [tilespmem:v9+s12+$0x0], $0xffff  }
0x1ae: {  	v2 =	vld.idx.msk [tilespmem:v1+s11+$0x0], $0xffff  }
0x1af: {  	v4 =	vadd.f32 v4, v3;
	v5 =	vmul.f32 v5, v12;
	v3 =	vld.idx.msk [tilespmem:v1+s12+$0x0], $0xffff  }
.Ltmp0:
0x1b0: {  	(pc) =	sbr.rel @p0 .LBB2_2-.Ltmp0, $3  }
0x1b1: {  	v1 =	vadd.f32 v5, v4;
	v4 =	vmul.f32 v7, v6;
	_ =	sdelay $0x1  }
0x1b2: {  	v6 =	vmov s18;
	v4 =	vadd.f32 v4, v1;
	v5 =	vmul.f32 v9, v8  }
0x1b3: {  	s18 =	sadd.s32 $0x10, s18;
	v1 =	vshll.u32 v6, $0x6  }
0x1b4: {  	v1 =	vor.u32 v0, v1;
	v4 =	vadd.f32 v5, v4;
	v2 =	vmul.f32 v3, v2;
	_ =	sdelay $0x1  }
0x1b5: {  	v3 =	vor.u32 $0x1, v1;
	v2 =	vadd.f32 v2, v4  }
0x1b6: {  	s17 =	sadd.s32 $0x10, s17  }
0x1b7: {  	v31 =	vor.u32 $0x2, v1;
	[tilespmem:s17+$0x0] =	vst v2  }
0x1b8: {  	v2 =	vld.idx.msk [tilespmem:v1+s12+$0x0], $0xffff  }
0x1b9: {  	v6 =	vor.u32 $0x3, v1;
	v32 =	vld.idx.msk [tilespmem:v1+s11+$0x0], $0xffff  }
0x1ba: {  	v7 =	vld.idx.msk [tilespmem:v3+s11+$0x0], $0xffff  }
0x1bb: {  	v8 =	vor.u32 $0x4, v1;
	v3 =	vld.idx.msk [tilespmem:v3+s12+$0x0], $0xffff  }
0x1bc: {  	v9 =	vld.idx.msk [tilespmem:v31+s11+$0x0], $0xffff  }
0x1bd: {  	v10 =	vor.u32 $0x5, v1;
	v4 =	vld.idx.msk [tilespmem:v31+s12+$0x0], $0xffff  }
0x1be: {  	v11 =	vld.idx.msk [tilespmem:v6+s11+$0x0], $0xffff;
	v2 =	vmul.f32 v2, v32  }
0x1bf: {  	v34 =	vor.u32 $0x6, v1;
	v33 =	vld.idx.msk [tilespmem:v6+s12+$0x0], $0xffff  }
0x1c0: {  	v12 =	vld.idx.msk [tilespmem:v8+s11+$0x0], $0xffff;
	v3 =	vmul.f32 v3, v7;
	v2 =	vadd.f32 $0.0e+00, v2  }
0x1c1: {  	v36 =	vor.u32 $0x7, v1;
	v35 =	vld.idx.msk [tilespmem:v8+s12+$0x0], $0xffff  }
0x1c2: {  	v13 =	vld.idx.msk [tilespmem:v10+s11+$0x0], $0xffff;
	v2 =	vadd.f32 v3, v2;
	v3 =	vmul.f32 v4, v9  }
0x1c3: {  	v38 =	vor.u32 $0x8, v1;
	v37 =	vld.idx.msk [tilespmem:v10+s12+$0x0], $0xffff  }
0x1c4: {  	v39 =	vld.idx.msk [tilespmem:v34+s11+$0x0], $0xffff;
	v2 =	vadd.f32 v3, v2;
	v3 =	vmul.f32 v33, v11  }
0x1c5: {  	v41 =	vor.u32 $0x9, v1;
	v40 =	vld.idx.msk [tilespmem:v34+s12+$0x0], $0xffff  }
0x1c6: {  	v42 =	vld.idx.msk [tilespmem:v36+s11+$0x0], $0xffff;
	v2 =	vadd.f32 v3, v2;
	v3 =	vmul.f32 v35, v12  }
0x1c7: {  	v44 =	vor.u32 $0xA, v1;
	v43 =	vld.idx.msk [tilespmem:v36+s12+$0x0], $0xffff  }
0x1c8: {  	v45 =	vld.idx.msk [tilespmem:v38+s11+$0x0], $0xffff;
	v2 =	vadd.f32 v3, v2;
	v3 =	vmul.f32 v37, v13  }
0x1c9: {  	v47 =	vor.u32 $0xB, v1;
	v46 =	vld.idx.msk [tilespmem:v38+s12+$0x0], $0xffff  }
0x1ca: {  	v48 =	vld.idx.msk [tilespmem:v41+s11+$0x0], $0xffff;
	v2 =	vadd.f32 v3, v2;
	v3 =	vmul.f32 v40, v39  }
0x1cb: {  	v50 =	vor.u32 $0xC, v1;
	v49 =	vld.idx.msk [tilespmem:v41+s12+$0x0], $0xffff  }
0x1cc: {  	v51 =	vld.idx.msk [tilespmem:v44+s11+$0x0], $0xffff;
	v2 =	vadd.f32 v3, v2;
	v3 =	vmul.f32 v43, v42  }
0x1cd: {  	v53 =	vor.u32 $0xD, v1;
	v52 =	vld.idx.msk [tilespmem:v44+s12+$0x0], $0xffff  }
0x1ce: {  	v54 =	vld.idx.msk [tilespmem:v47+s11+$0x0], $0xffff;
	v2 =	vadd.f32 v3, v2;
	v3 =	vmul.f32 v46, v45  }
0x1cf: {  	v56 =	vor.u32 $0xE, v1;
	v55 =	vld.idx.msk [tilespmem:v47+s12+$0x0], $0xffff  }
0x1d0: {  	v57 =	vld.idx.msk [tilespmem:v50+s11+$0x0], $0xffff;
	v2 =	vadd.f32 v3, v2;
	v3 =	vmul.f32 v49, v48  }
0x1d1: {  	v59 =	vor.u32 $0xF, v1;
	v58 =	vld.idx.msk [tilespmem:v50+s12+$0x0], $0xffff  }
0x1d2: {  	v60 =	vld.idx.msk [tilespmem:v53+s11+$0x0], $0xffff;
	v2 =	vadd.f32 v3, v2;
	v3 =	vmul.f32 v52, v51  }
0x1d3: {  	v62 =	vor.u32 $0x10, v1;
	v61 =	vld.idx.msk [tilespmem:v53+s12+$0x0], $0xffff  }
0x1d4: {  	v63 =	vld.idx.msk [tilespmem:v56+s11+$0x0], $0xffff;
	v2 =	vadd.f32 v3, v2;
	v3 =	vmul.f32 v55, v54  }
0x1d5: {  	v17 =	vor.u32 $0x11, v1;
	v16 =	vld.idx.msk [tilespmem:v56+s12+$0x0], $0xffff  }
0x1d6: {  	v18 =	vld.idx.msk [tilespmem:v59+s11+$0x0], $0xffff;
	v2 =	vadd.f32 v3, v2;
	v3 =	vmul.f32 v58, v57  }
0x1d7: {  	v20 =	vor.u32 $0x12, v1;
	v19 =	vld.idx.msk [tilespmem:v59+s12+$0x0], $0xffff  }
0x1d8: {  	v21 =	vld.idx.msk [tilespmem:v62+s11+$0x0], $0xffff;
	v2 =	vadd.f32 v3, v2;
	v3 =	vmul.f32 v61, v60  }
0x1d9: {  	v23 =	vor.u32 $0x13, v1;
	v22 =	vld.idx.msk [tilespmem:v62+s12+$0x0], $0xffff  }
0x1da: {  	v24 =	vld.idx.msk [tilespmem:v17+s11+$0x0], $0xffff;
	v2 =	vadd.f32 v3, v2;
	v3 =	vmul.f32 v16, v63  }
0x1db: {  	v26 =	vor.u32 $0x14, v1;
	v25 =	vld.idx.msk [tilespmem:v17+s12+$0x0], $0xffff  }
0x1dc: {  	v27 =	vld.idx.msk [tilespmem:v20+s11+$0x0], $0xffff;
	v2 =	vadd.f32 v3, v2;
	v3 =	vmul.f32 v19, v18  }
0x1dd: {  	v29 =	vor.u32 $0x15, v1;
	v28 =	vld.idx.msk [tilespmem:v20+s12+$0x0], $0xffff  }
0x1de: {  	v30 =	vld.idx.msk [tilespmem:v23+s11+$0x0], $0xffff;
	v2 =	vadd.f32 v3, v2;
	v3 =	vmul.f32 v22, v21  }
0x1df: {  	v31 =	vld.idx.msk [tilespmem:v23+s12+$0x0], $0xffff;
	v32 =	vor.u32 $0x16, v1  }
0x1e0: {  	v34 =	vld.idx.msk [tilespmem:v26+s12+$0x0], $0xffff;
	v2 =	vadd.f32 v3, v2;
	v3 =	vmul.f32 v25, v24  }
0x1e1: {  	v33 =	vld.idx.msk [tilespmem:v26+s11+$0x0], $0xffff;
	v35 =	vor.u32 $0x17, v1  }
0x1e2: {  	v36 =	vld.idx.msk [tilespmem:v29+s11+$0x0], $0xffff;
	v2 =	vadd.f32 v3, v2;
	v3 =	vmul.f32 v28, v27  }
0x1e3: {  	v38 =	vor.u32 $0x18, v1;
	v37 =	vld.idx.msk [tilespmem:v29+s12+$0x0], $0xffff  }
0x1e4: {  	v39 =	vld.idx.msk [tilespmem:v32+s11+$0x0], $0xffff;
	v2 =	vadd.f32 v3, v2;
	v3 =	vmul.f32 v31, v30  }
0x1e5: {  	v41 =	vor.u32 $0x19, v1;
	v40 =	vld.idx.msk [tilespmem:v32+s12+$0x0], $0xffff  }
0x1e6: {  	v42 =	vld.idx.msk [tilespmem:v35+s11+$0x0], $0xffff;
	v2 =	vadd.f32 v3, v2;
	v3 =	vmul.f32 v34, v33  }
0x1e7: {  	v44 =	vor.u32 $0x1A, v1;
	v43 =	vld.idx.msk [tilespmem:v35+s12+$0x0], $0xffff  }
0x1e8: {  	v45 =	vld.idx.msk [tilespmem:v38+s11+$0x0], $0xffff;
	v2 =	vadd.f32 v3, v2;
	v3 =	vmul.f32 v37, v36  }
0x1e9: {  	v47 =	vor.u32 $0x1B, v1;
	v46 =	vld.idx.msk [tilespmem:v38+s12+$0x0], $0xffff  }
0x1ea: {  	v48 =	vld.idx.msk [tilespmem:v41+s11+$0x0], $0xffff;
	v2 =	vadd.f32 v3, v2;
	v3 =	vmul.f32 v40, v39  }
0x1eb: {  	v50 =	vor.u32 $0x1C, v1;
	v49 =	vld.idx.msk [tilespmem:v41+s12+$0x0], $0xffff  }
0x1ec: {  	v51 =	vld.idx.msk [tilespmem:v44+s11+$0x0], $0xffff;
	v2 =	vadd.f32 v3, v2;
	v3 =	vmul.f32 v43, v42  }
0x1ed: {  	v53 =	vor.u32 $0x1D, v1;
	v52 =	vld.idx.msk [tilespmem:v44+s12+$0x0], $0xffff  }
0x1ee: {  	v54 =	vld.idx.msk [tilespmem:v47+s11+$0x0], $0xffff;
	v2 =	vadd.f32 v3, v2;
	v3 =	vmul.f32 v46, v45  }
0x1ef: {  	v56 =	vor.u32 $0x1E, v1;
	v55 =	vld.idx.msk [tilespmem:v47+s12+$0x0], $0xffff  }
0x1f0: {  	v57 =	vld.idx.msk [tilespmem:v50+s11+$0x0], $0xffff;
	v2 =	vadd.f32 v3, v2;
	v3 =	vmul.f32 v49, v48  }
0x1f1: {  	v59 =	vor.u32 $0x1F, v1;
	v58 =	vld.idx.msk [tilespmem:v50+s12+$0x0], $0xffff  }
0x1f2: {  	v60 =	vld.idx.msk [tilespmem:v53+s11+$0x0], $0xffff;
	v2 =	vadd.f32 v3, v2;
	v3 =	vmul.f32 v52, v51  }
0x1f3: {  	v62 =	vor.u32 $0x20, v1;
	v61 =	vld.idx.msk [tilespmem:v53+s12+$0x0], $0xffff  }
0x1f4: {  	v63 =	vld.idx.msk [tilespmem:v56+s11+$0x0], $0xffff;
	v2 =	vadd.f32 v3, v2;
	v3 =	vmul.f32 v55, v54  }
0x1f5: {  	v17 =	vor.u32 $0x21, v1;
	v16 =	vld.idx.msk [tilespmem:v56+s12+$0x0], $0xffff  }
0x1f6: {  	v18 =	vld.idx.msk [tilespmem:v59+s11+$0x0], $0xffff;
	v2 =	vadd.f32 v3, v2;
	v3 =	vmul.f32 v58, v57  }
0x1f7: {  	v20 =	vor.u32 $0x22, v1;
	v19 =	vld.idx.msk [tilespmem:v59+s12+$0x0], $0xffff  }
0x1f8: {  	v21 =	vld.idx.msk [tilespmem:v62+s11+$0x0], $0xffff;
	v2 =	vadd.f32 v3, v2;
	v3 =	vmul.f32 v61, v60  }
0x1f9: {  	v23 =	vor.u32 $0x23, v1;
	v22 =	vld.idx.msk [tilespmem:v62+s12+$0x0], $0xffff  }
0x1fa: {  	v24 =	vld.idx.msk [tilespmem:v17+s11+$0x0], $0xffff;
	v2 =	vadd.f32 v3, v2;
	v3 =	vmul.f32 v16, v63  }
0x1fb: {  	v26 =	vor.u32 $0x24, v1;
	v25 =	vld.idx.msk [tilespmem:v17+s12+$0x0], $0xffff  }
0x1fc: {  	v27 =	vld.idx.msk [tilespmem:v20+s11+$0x0], $0xffff;
	v2 =	vadd.f32 v3, v2;
	v3 =	vmul.f32 v19, v18  }
0x1fd: {  	v29 =	vor.u32 $0x25, v1;
	v28 =	vld.idx.msk [tilespmem:v20+s12+$0x0], $0xffff  }
0x1fe: {  	v30 =	vld.idx.msk [tilespmem:v23+s11+$0x0], $0xffff;
	v2 =	vadd.f32 v3, v2;
	v3 =	vmul.f32 v22, v21  }
0x1ff: {  	v32 =	vor.u32 $0x26, v1;
	v31 =	vld.idx.msk [tilespmem:v23+s12+$0x0], $0xffff  }
0x200: {  	v33 =	vld.idx.msk [tilespmem:v26+s11+$0x0], $0xffff;
	v2 =	vadd.f32 v3, v2;
	v3 =	vmul.f32 v25, v24  }
0x201: {  	v35 =	vor.u32 $0x27, v1;
	v34 =	vld.idx.msk [tilespmem:v26+s12+$0x0], $0xffff  }
0x202: {  	v36 =	vld.idx.msk [tilespmem:v29+s11+$0x0], $0xffff;
	v2 =	vadd.f32 v3, v2;
	v3 =	vmul.f32 v28, v27  }
0x203: {  	v38 =	vor.u32 $0x28, v1;
	v37 =	vld.idx.msk [tilespmem:v29+s12+$0x0], $0xffff  }
0x204: {  	v39 =	vld.idx.msk [tilespmem:v32+s11+$0x0], $0xffff;
	v2 =	vadd.f32 v3, v2;
	v3 =	vmul.f32 v31, v30  }
0x205: {  	v41 =	vor.u32 $0x29, v1;
	v40 =	vld.idx.msk [tilespmem:v32+s12+$0x0], $0xffff  }
0x206: {  	v42 =	vld.idx.msk [tilespmem:v35+s11+$0x0], $0xffff;
	v2 =	vadd.f32 v3, v2;
	v3 =	vmul.f32 v34, v33  }
0x207: {  	v44 =	vor.u32 $0x2A, v1;
	v43 =	vld.idx.msk [tilespmem:v35+s12+$0x0], $0xffff  }
0x208: {  	v45 =	vld.idx.msk [tilespmem:v38+s11+$0x0], $0xffff;
	v2 =	vadd.f32 v3, v2;
	v3 =	vmul.f32 v37, v36  }
0x209: {  	v47 =	vor.u32 $0x2B, v1;
	v46 =	vld.idx.msk [tilespmem:v38+s12+$0x0], $0xffff  }
0x20a: {  	v48 =	vld.idx.msk [tilespmem:v41+s11+$0x0], $0xffff;
	v2 =	vadd.f32 v3, v2;
	v3 =	vmul.f32 v40, v39  }
0x20b: {  	v50 =	vor.u32 $0x2C, v1;
	v49 =	vld.idx.msk [tilespmem:v41+s12+$0x0], $0xffff  }
0x20c: {  	v51 =	vld.idx.msk [tilespmem:v44+s11+$0x0], $0xffff;
	v2 =	vadd.f32 v3, v2;
	v3 =	vmul.f32 v43, v42  }
0x20d: {  	v53 =	vor.u32 $0x2D, v1;
	v52 =	vld.idx.msk [tilespmem:v44+s12+$0x0], $0xffff  }
0x20e: {  	v54 =	vld.idx.msk [tilespmem:v47+s11+$0x0], $0xffff;
	v2 =	vadd.f32 v3, v2;
	v3 =	vmul.f32 v46, v45  }
0x20f: {  	v56 =	vor.u32 $0x2E, v1;
	v55 =	vld.idx.msk [tilespmem:v47+s12+$0x0], $0xffff  }
0x210: {  	v57 =	vld.idx.msk [tilespmem:v50+s11+$0x0], $0xffff;
	v2 =	vadd.f32 v3, v2;
	v3 =	vmul.f32 v49, v48  }
0x211: {  	v59 =	vor.u32 $0x2F, v1;
	v58 =	vld.idx.msk [tilespmem:v50+s12+$0x0], $0xffff  }
0x212: {  	v60 =	vld.idx.msk [tilespmem:v53+s11+$0x0], $0xffff;
	v2 =	vadd.f32 v3, v2;
	v3 =	vmul.f32 v52, v51  }
0x213: {  	v62 =	vor.u32 $0x30, v1;
	v61 =	vld.idx.msk [tilespmem:v53+s12+$0x0], $0xffff  }
0x214: {  	v63 =	vld.idx.msk [tilespmem:v56+s11+$0x0], $0xffff;
	v2 =	vadd.f32 v3, v2;
	v3 =	vmul.f32 v55, v54  }
0x215: {  	v17 =	vor.u32 $0x31, v1;
	v16 =	vld.idx.msk [tilespmem:v56+s12+$0x0], $0xffff  }
0x216: {  	v18 =	vld.idx.msk [tilespmem:v59+s11+$0x0], $0xffff;
	v2 =	vadd.f32 v3, v2;
	v3 =	vmul.f32 v58, v57  }
0x217: {  	v20 =	vor.u32 $0x32, v1;
	v19 =	vld.idx.msk [tilespmem:v59+s12+$0x0], $0xffff  }
0x218: {  	v21 =	vld.idx.msk [tilespmem:v62+s11+$0x0], $0xffff;
	v2 =	vadd.f32 v3, v2;
	v3 =	vmul.f32 v61, v60  }
0x219: {  	v23 =	vor.u32 $0x33, v1;
	v22 =	vld.idx.msk [tilespmem:v62+s12+$0x0], $0xffff  }
0x21a: {  	v24 =	vld.idx.msk [tilespmem:v17+s11+$0x0], $0xffff;
	v2 =	vadd.f32 v3, v2;
	v3 =	vmul.f32 v16, v63  }
0x21b: {  	v26 =	vor.u32 $0x34, v1;
	v25 =	vld.idx.msk [tilespmem:v17+s12+$0x0], $0xffff  }
0x21c: {  	v27 =	vld.idx.msk [tilespmem:v20+s11+$0x0], $0xffff;
	v2 =	vadd.f32 v3, v2;
	v3 =	vmul.f32 v19, v18  }
0x21d: {  	v29 =	vor.u32 $0x35, v1;
	v28 =	vld.idx.msk [tilespmem:v20+s12+$0x0], $0xffff  }
0x21e: {  	v30 =	vld.idx.msk [tilespmem:v23+s11+$0x0], $0xffff;
	v2 =	vadd.f32 v3, v2;
	v3 =	vmul.f32 v22, v21  }
0x21f: {  	v32 =	vor.u32 $0x36, v1;
	v31 =	vld.idx.msk [tilespmem:v23+s12+$0x0], $0xffff  }
0x220: {  	v33 =	vld.idx.msk [tilespmem:v26+s11+$0x0], $0xffff;
	v2 =	vadd.f32 v3, v2;
	v3 =	vmul.f32 v25, v24  }
0x221: {  	v35 =	vor.u32 $0x37, v1;
	v34 =	vld.idx.msk [tilespmem:v26+s12+$0x0], $0xffff  }
0x222: {  	v36 =	vld.idx.msk [tilespmem:v29+s11+$0x0], $0xffff;
	v2 =	vadd.f32 v3, v2;
	v3 =	vmul.f32 v28, v27  }
0x223: {  	v38 =	vor.u32 $0x38, v1;
	v37 =	vld.idx.msk [tilespmem:v29+s12+$0x0], $0xffff  }
0x224: {  	v39 =	vld.idx.msk [tilespmem:v32+s11+$0x0], $0xffff;
	v2 =	vadd.f32 v3, v2;
	v3 =	vmul.f32 v31, v30  }
0x225: {  	v41 =	vor.u32 $0x39, v1;
	v40 =	vld.idx.msk [tilespmem:v32+s12+$0x0], $0xffff  }
0x226: {  	v42 =	vld.idx.msk [tilespmem:v35+s11+$0x0], $0xffff;
	v2 =	vadd.f32 v3, v2;
	v3 =	vmul.f32 v34, v33  }
0x227: {  	v44 =	vor.u32 $0x3A, v1;
	v43 =	vld.idx.msk [tilespmem:v35+s12+$0x0], $0xffff  }
0x228: {  	v45 =	vld.idx.msk [tilespmem:v38+s11+$0x0], $0xffff;
	v2 =	vadd.f32 v3, v2;
	v3 =	vmul.f32 v37, v36  }
0x229: {  	v47 =	vor.u32 $0x3B, v1;
	v46 =	vld.idx.msk [tilespmem:v38+s12+$0x0], $0xffff  }
0x22a: {  	v48 =	vld.idx.msk [tilespmem:v41+s11+$0x0], $0xffff;
	v2 =	vadd.f32 v3, v2;
	v3 =	vmul.f32 v40, v39  }
0x22b: {  	v50 =	vor.u32 $0x3C, v1;
	v49 =	vld.idx.msk [tilespmem:v41+s12+$0x0], $0xffff  }
0x22c: {  	v51 =	vld.idx.msk [tilespmem:v44+s11+$0x0], $0xffff;
	v2 =	vadd.f32 v3, v2;
	v3 =	vmul.f32 v43, v42  }
0x22d: {  	v53 =	vor.u32 $0x3D, v1;
	v52 =	vld.idx.msk [tilespmem:v44+s12+$0x0], $0xffff  }
0x22e: {  	v54 =	vld.idx.msk [tilespmem:v47+s11+$0x0], $0xffff;
	v2 =	vadd.f32 v3, v2;
	v3 =	vmul.f32 v46, v45  }
0x22f: {  	v56 =	vor.u32 $0x3E, v1;
	v55 =	vld.idx.msk [tilespmem:v47+s12+$0x0], $0xffff  }
0x230: {  	v57 =	vld.idx.msk [tilespmem:v50+s11+$0x0], $0xffff;
	v2 =	vadd.f32 v3, v2;
	v3 =	vmul.f32 v49, v48  }
0x231: {  	v1 =	vor.u32 $0x3F, v1;
	v58 =	vld.idx.msk [tilespmem:v50+s12+$0x0], $0xffff  }
0x232: {  	v59 =	vld.idx.msk [tilespmem:v53+s11+$0x0], $0xffff;
	v2 =	vadd.f32 v3, v2;
	v3 =	vmul.f32 v52, v51  }
0x233: {  	v60 =	vld.idx.msk [tilespmem:v53+s12+$0x0], $0xffff  }
0x234: {  	v62 =	vld.idx.msk [tilespmem:v56+s12+$0x0], $0xffff;
	v2 =	vadd.f32 v3, v2;
	v3 =	vmul.f32 v55, v54  }
0x235: {  	v61 =	vld.idx.msk [tilespmem:v56+s11+$0x0], $0xffff  }
0x236: {  	v63 =	vld.idx.msk [tilespmem:v1+s11+$0x0], $0xffff;
	v2 =	vadd.f32 v3, v2;
	v3 =	vmul.f32 v58, v57  }
0x237: {  	v1 =	vld.idx.msk [tilespmem:v1+s12+$0x0], $0xffff  }
0x238: {  	v2 =	vadd.f32 v3, v2;
	v3 =	vmul.f32 v60, v59;
	_ =	sdelay $0x1  }
0x239: {  	v2 =	vadd.f32 v3, v2;
	v3 =	vmul.f32 v62, v61;
	_ =	sdelay $0x1  }
0x23a: {  	v1 =	vmul.f32 v1, v63;
	v2 =	vadd.f32 v3, v2;
	_ =	sdelay $0x1  }
0x23b: {  	s16 =	sadd.s32 $0x1, s16;
	v1 =	vadd.f32 v1, v2  }
0x23c: {  	p0 =	sne.s32 s16, s8;
	s17 =	sadd.s32 $0x10, s17  }
.Ltmp1:
0x23d: {  	[tilespmem:s17+$0x0] =	vst v1;
	(pc) =	sbr.rel @p0 .LBB2_1-.Ltmp1, $4  }
0x23e: {  	[hbm4b:s7+s1] =	stream.linear.scatter [tilespmem:s15], [sflag:$0x3], $0x200, $0x38;
	[tilespmem:$0x10600] =	vst v63  }
0x23f: {  	_ =	swait.ge [sflag:s9], $0x200  }
0x240: {  	[sflag:s9] =	ssyncset.done $0x0  }
0x241: {  	[sflag:s9] =	ssyncadd.s32 $0xFFFFFE00  }
0x242: {  	_ =	sfence.sel $0x180000  }
0x243: {  	[bflag:$0x0] =	sbarrier.arrive $0xFFFF  }
0x244: {  	p0 =	sne.s32 s2, $0x0;
	_ =	strace $0x90000047  }
0x245: {  	s0 =	sadd.s32 @!p0 $0x100000, s0;
	[bflag:$0x2] =	sbarrier.arrive $0xFFFF  }
0x246: {  	[sflag:s0] =	ssyncadd.tile.s32 @!p0 $0x1;
	_ =	shalt  }
.Lfunc_end2:
_tile_overlayer_lowered:
.L_overlay_start_2:
0x247: {  	(tag) =	ssettag $0x2  }
0x248: {  	s0 =	rddreg [dreg:$0x0];
	s2 =	stileid.u32  }
0x249: {  	s1 =	rddreg [dreg:$0x1];
	p0 =	sne.s32 s2, $0x0  }
0x24a: {  	s3 =	rddreg [dreg:$0x2];
	[bflag:$0x3] =	sbarrier.arrive $0xFFFF;
	s2 =	simm.s32 @!p0 $0x1C03  }
0x24b: {  	[timem:s3], [sflag:s2] =	dma.local @!p0 [hbm:s0], s1  }
0x24c: {  	s0 =	simm.s32 @!p0 $0x3  }
0x24d: {  	_ =	swait.ge @!p0 [sflag:s0], s1  }
0x24e: {  	s1 =	ssub.s32 @!p0 $0x0, s1;
	[sflag:s0] =	ssyncset.done @!p0 $0x0  }
0x24f: {  	[sflag:s0] =	ssyncadd.s32 @!p0 s1  }
0x250: {  	[bflag:$0x3] =	sbarrier.arrive $0xFFFF  }
0x251: {  	_ =	shalt  }

</sc_bundles>
